<compile_context>
chip_gen: v7x
topology: tpu7x:2x2x1
jax: 0.10.2.dev20260603
libtpu: 0.0.44.dev20260713+nightly
codegen_flags: <defaults>
</compile_context>

<pallas_src>
import functools

import jax
import jax.numpy as jnp
from jax import lax
from jax.experimental import pallas as pl
from jax.experimental.pallas import tpu as pltpu
from jax.experimental.pallas import tpu_sc as plsc

_FEATURE_DIM = 256
_VOXEL = 0.4
_PC_RANGE = [-50.0, -50.0, -3.0, 50.0, 50.0, 3.0]
_GX = 250
_GY = 250
_CHUNK = 4096


def _layer_kernel(x_ref, w_ref, b_ref, h_ref, m0_ref, s1_ref, s2_ref):
    h = jnp.dot(x_ref[...], w_ref[...], preferred_element_type=jnp.float32)
    h = h + b_ref[...]
    h_ref[...] = h

    @pl.when(pl.program_id(0) == 0)
    def _():
        m0_ref[...] = jnp.mean(h, axis=0, keepdims=True)
        s1_ref[...] = jnp.zeros_like(s1_ref)
        s2_ref[...] = jnp.zeros_like(s2_ref)

    d = h - m0_ref[...]
    s1_ref[...] += jnp.sum(d, axis=0, keepdims=True)
    s2_ref[...] += jnp.sum(d * d, axis=0, keepdims=True)


def _layer_act_kernel(x_ref, a_ref, c_ref, w_ref, b_ref, h_ref, m0_ref,
                      s1_ref, s2_ref):
    act = jnp.maximum(x_ref[...] * a_ref[...] + c_ref[...], 0.0)
    h = jnp.dot(act, w_ref[...], preferred_element_type=jnp.float32)
    h = h + b_ref[...]
    h_ref[...] = h

    @pl.when(pl.program_id(0) == 0)
    def _():
        m0_ref[...] = jnp.mean(h, axis=0, keepdims=True)
        s1_ref[...] = jnp.zeros_like(s1_ref)
        s2_ref[...] = jnp.zeros_like(s2_ref)

    d = h - m0_ref[...]
    s1_ref[...] += jnp.sum(d, axis=0, keepdims=True)
    s2_ref[...] += jnp.sum(d * d, axis=0, keepdims=True)


def _final_kernel(x_ref, a_ref, c_ref, w_ref, b_ref, ft_ref):
    act = jnp.maximum(x_ref[...] * a_ref[...] + c_ref[...], 0.0)
    ft = lax.dot_general(w_ref[...], act, (((1,), (1,)), ((), ())),
                         preferred_element_type=jnp.float32)
    ft_ref[...] = ft + b_ref[...]


def _run_layer(x, w, b, width):
    m = x.shape[0]
    grid = (m // _CHUNK,)
    kin = x.shape[1]
    return pl.pallas_call(
        _layer_kernel,
        grid=grid,
        in_specs=[
            pl.BlockSpec((_CHUNK, kin), lambda i: (i, 0)),
            pl.BlockSpec((kin, width), lambda i: (0, 0)),
            pl.BlockSpec((1, width), lambda i: (0, 0)),
        ],
        out_specs=[
            pl.BlockSpec((_CHUNK, width), lambda i: (i, 0)),
            pl.BlockSpec((1, width), lambda i: (0, 0)),
            pl.BlockSpec((1, width), lambda i: (0, 0)),
            pl.BlockSpec((1, width), lambda i: (0, 0)),
        ],
        out_shape=[
            jax.ShapeDtypeStruct((m, width), jnp.float32),
            jax.ShapeDtypeStruct((1, width), jnp.float32),
            jax.ShapeDtypeStruct((1, width), jnp.float32),
            jax.ShapeDtypeStruct((1, width), jnp.float32),
        ],
    )(x, w, b)


def _run_layer_act(x, a, c, w, b, width):
    m = x.shape[0]
    grid = (m // _CHUNK,)
    kin = x.shape[1]
    return pl.pallas_call(
        _layer_act_kernel,
        grid=grid,
        in_specs=[
            pl.BlockSpec((_CHUNK, kin), lambda i: (i, 0)),
            pl.BlockSpec((1, kin), lambda i: (0, 0)),
            pl.BlockSpec((1, kin), lambda i: (0, 0)),
            pl.BlockSpec((kin, width), lambda i: (0, 0)),
            pl.BlockSpec((1, width), lambda i: (0, 0)),
        ],
        out_specs=[
            pl.BlockSpec((_CHUNK, width), lambda i: (i, 0)),
            pl.BlockSpec((1, width), lambda i: (0, 0)),
            pl.BlockSpec((1, width), lambda i: (0, 0)),
            pl.BlockSpec((1, width), lambda i: (0, 0)),
        ],
        out_shape=[
            jax.ShapeDtypeStruct((m, width), jnp.float32),
            jax.ShapeDtypeStruct((1, width), jnp.float32),
            jax.ShapeDtypeStruct((1, width), jnp.float32),
            jax.ShapeDtypeStruct((1, width), jnp.float32),
        ],
    )(x, a, c, w, b)


def _run_final(x, a, c, w, b):
    m = x.shape[0]
    kin = x.shape[1]
    grid = (m // _CHUNK,)
    return pl.pallas_call(
        _final_kernel,
        grid=grid,
        in_specs=[
            pl.BlockSpec((_CHUNK, kin), lambda i: (i, 0)),
            pl.BlockSpec((1, kin), lambda i: (0, 0)),
            pl.BlockSpec((1, kin), lambda i: (0, 0)),
            pl.BlockSpec((_FEATURE_DIM, kin), lambda i: (0, 0)),
            pl.BlockSpec((_FEATURE_DIM, 1), lambda i: (0, 0)),
        ],
        out_specs=pl.BlockSpec((_FEATURE_DIM, _CHUNK), lambda i: (0, i)),
        out_shape=jax.ShapeDtypeStruct((_FEATURE_DIM, m), jnp.float32),
    )(x, a, c, w, b)


def _bn_coeffs(m0, s1, s2, gamma, beta, m):
    mean = m0[0] + s1[0] / m
    var = s2[0] / m - (s1[0] / m) ** 2
    a = gamma * lax.rsqrt(var + 1e-5)
    c = beta - mean * a
    return a[None, :], c[None, :]



_NPTS = 65536
_SC_CHUNK = 1024
_PLANE = _GX * _GY
_PLANE_STRIDE = 62592
_ACC_LEN = 2 * _PLANE_STRIDE
_FEATS_PER_WORKER = _FEATURE_DIM // 32


def _scatter_max_kernel(featsT_hbm, flat_hbm, out_hbm, acc,
                        idx0, idx1, val0, val1, sem0, sem1):
    wid = lax.axis_index("s") * 2 + lax.axis_index("c")
    f_base = wid * _FEATS_PER_WORKER
    n_chunks = _NPTS // _SC_CHUNK
    pend0 = jnp.zeros((16,), jnp.bool_)

    def feat_body(fi, carry):
        f = f_base + fi

        zero = jnp.zeros((16,), jnp.float32)

        def zero_body(j, c):
            for u in range(8):
                acc[pl.ds(j * 128 + u * 16, 16)] = zero
            return c

        lax.fori_loop(0, _ACC_LEN // 128, zero_body, 0)

        def fire(ci, ib, vb, sem):
            base = ci * _SC_CHUNK
            pltpu.async_copy(flat_hbm.at[pl.ds(base, _SC_CHUNK)], ib, sem)
            pltpu.async_copy(featsT_hbm.at[f, pl.ds(base, _SC_CHUNK)],
                             vb, sem)

        def drain(ci, ib, vb, sem):
            base = ci * _SC_CHUNK
            pltpu.make_async_copy(
                flat_hbm.at[pl.ds(base, _SC_CHUNK)], ib, sem).wait()
            pltpu.make_async_copy(
                featsT_hbm.at[f, pl.ds(base, _SC_CHUNK)], vb, sem).wait()

        def process(ib, vb):
            def one_pass(k, pend):
                for u in range(8):
                    g = k * 8 + u
                    idx = ib[pl.ds(g * 16, 16)]
                    val = vb[pl.ds(g * 16, 16)]
                    cur = plsc.load_gather(acc, [idx])
                    plsc.store_scatter(acc, [idx], val, mask=val > cur)
                    cur2 = plsc.load_gather(acc, [idx])
                    pend = jnp.logical_or(pend, val > cur2)
                return pend

            pend = lax.fori_loop(0, _SC_CHUNK // 128, one_pass, pend0)

            def wcond(p):
                return jnp.max(p.astype(jnp.int32)) > 0

            def wbody(p):
                return lax.fori_loop(0, _SC_CHUNK // 128, one_pass, pend0)

            lax.while_loop(wcond, wbody, pend)

        fire(0, idx0, val0, sem0)

        def dchunk(k, c):
            c0 = 2 * k
            fire(c0 + 1, idx1, val1, sem1)
            drain(c0, idx0, val0, sem0)
            process(idx0, val0)
            nxt = jnp.minimum(c0 + 2, n_chunks - 2)
            fire(nxt, idx0, val0, sem0)
            drain(c0 + 1, idx1, val1, sem1)
            process(idx1, val1)
            return c

        lax.fori_loop(0, n_chunks // 2, dchunk, 0)
        drain(0, idx0, val0, sem0)

        off0 = pl.multiple_of(f * _PLANE_STRIDE, 128)
        off1 = pl.multiple_of((_FEATURE_DIM + f) * _PLANE_STRIDE, 128)
        pltpu.sync_copy(acc.at[pl.ds(0, _PLANE_STRIDE)],
                        out_hbm.at[pl.ds(off0, _PLANE_STRIDE)])
        pltpu.sync_copy(acc.at[pl.ds(_PLANE_STRIDE, _PLANE_STRIDE)],
                        out_hbm.at[pl.ds(off1, _PLANE_STRIDE)])
        return carry

    lax.fori_loop(0, _FEATS_PER_WORKER, feat_body, 0)


def _scatter_max(featsT, flat, batch):
    mesh = plsc.VectorSubcoreMesh(core_axis_name="c", subcore_axis_name="s")
    k = functools.partial(
        pl.kernel,
        mesh=mesh,
        out_type=jax.ShapeDtypeStruct((batch * _FEATURE_DIM * _PLANE_STRIDE,),
                                      jnp.float32),
        scratch_types=[
            pltpu.VMEM((_ACC_LEN,), jnp.float32),
            pltpu.VMEM((_SC_CHUNK,), jnp.int32),
            pltpu.VMEM((_SC_CHUNK,), jnp.int32),
            pltpu.VMEM((_SC_CHUNK,), jnp.float32),
            pltpu.VMEM((_SC_CHUNK,), jnp.float32),
            pltpu.SemaphoreType.DMA,
            pltpu.SemaphoreType.DMA,
        ],
        compiler_params=pltpu.CompilerParams(needs_layout_passes=False),
    )(_scatter_max_kernel)
    return k(featsT, flat)


def kernel(points, batch_indices, W1, b1, g1, be1, W2, b2, g2, be2, W3, b3):
    B, N, _ = points.shape
    m = B * N
    pts = points.reshape(m, -1)
    x = (pts[:, 0] - _PC_RANGE[0]) / _VOXEL
    y = (pts[:, 1] - _PC_RANGE[1]) / _VOXEL
    z = (pts[:, 2] - _PC_RANGE[2]) / _VOXEL
    pts = pts.at[:, 0].set(x).at[:, 1].set(y).at[:, 2].set(z)
    gx = jnp.clip(x.astype(jnp.int32), 0, _GX - 1)
    gy = jnp.clip(y.astype(jnp.int32), 0, _GY - 1)
    flat = batch_indices.astype(jnp.int32) * _PLANE_STRIDE + gx * _GY + gy

    pts8 = jnp.pad(pts, ((0, 0), (0, 1)))
    w1 = jnp.pad(W1, ((0, 0), (0, 1))).T
    h1, m0a, s1a, s2a = _run_layer(pts8, w1, b1[None, :], 64)
    a1, c1 = _bn_coeffs(m0a, s1a, s2a, g1, be1, m)

    h2, m0b, s1b, s2b = _run_layer_act(h1, a1, c1, W2.T, b2[None, :], 128)
    a2, c2 = _bn_coeffs(m0b, s1b, s2b, g2, be2, m)

    featsT = _run_final(h2, a2, c2, W3, b3[:, None])

    bev = _scatter_max(featsT, flat, B)
    bev = bev.reshape(B, _FEATURE_DIM, _PLANE_STRIDE)[:, :, :_PLANE]
    return bev.reshape(B, _FEATURE_DIM, _GX, _GY)

# --- scband reference (transcript-rebuilt; emitter-appended) ---
"""Pipeline reference for scband-li-darencoder-67963562492441 (READ-ONLY COPY).

The authoritative reference and input builder live on the scoring server;
editing this copy changes nothing except your own understanding.
"""

import jax, jax.numpy as jnp
import numpy as np

FEATURE_DIM = 256
VOXEL_SIZE = [0.4, 0.4, 0.4]
PC_RANGE = [-50.0, -50.0, -3.0, 50.0, 50.0, 3.0]
GRID_X = int((PC_RANGE[3] - PC_RANGE[0]) / VOXEL_SIZE[0])
GRID_Y = int((PC_RANGE[4] - PC_RANGE[1]) / VOXEL_SIZE[1])


def _bn(x, gamma, beta):
    # BatchNorm1d in training mode: batch statistics, biased variance, eps=1e-5
    mean = jnp.mean(x, axis=0)
    var = jnp.var(x, axis=0)
    return gamma * (x - mean) / jnp.sqrt(var + 1e-5) + beta


def _forward(points, batch_indices, W1, b1, g1, be1, W2, b2, g2, be2, W3, b3):
    B, N, _ = points.shape
    pts = points.reshape(B * N, -1)
    x = (pts[:, 0] - PC_RANGE[0]) / VOXEL_SIZE[0]
    y = (pts[:, 1] - PC_RANGE[1]) / VOXEL_SIZE[1]
    z = (pts[:, 2] - PC_RANGE[2]) / VOXEL_SIZE[2]
    pts = pts.at[:, 0].set(x).at[:, 1].set(y).at[:, 2].set(z)
    h = jax.nn.relu(_bn(pts @ W1.T + b1, g1, be1))
    h = jax.nn.relu(_bn(h @ W2.T + b2, g2, be2))
    feats = h @ W3.T + b3
    gx = jnp.clip(jax.lax.stop_gradient(x).astype(jnp.int32), 0, GRID_X - 1)
    gy = jnp.clip(jax.lax.stop_gradient(y).astype(jnp.int32), 0, GRID_Y - 1)
    flat = batch_indices.astype(jnp.int32) * (GRID_X * GRID_Y) + gx * GRID_Y + gy
    # zeros-initialized scatter-max == max(0, running max over assigned features)
    bev = jnp.zeros((B * GRID_X * GRID_Y, FEATURE_DIM), dtype=jnp.float32).at[flat].max(feats)
    return bev.reshape(B, GRID_X, GRID_Y, FEATURE_DIM).transpose(0, 3, 1, 2)


def setup_inputs(seed: int = 0):
    key = jax.random.key(seed)
    ks = jax.random.split(key, 8)
    B, N = 2, 32768
    points = jax.random.normal(ks[0], (B, N, 7), dtype=jnp.float32)
    batch_indices = jnp.sort(jax.random.randint(ks[1], (B * N,), 0, B))
    W1 = 0.1 * jax.random.normal(ks[2], (64, 7), dtype=jnp.float32)
    b1 = jnp.zeros((64,), dtype=jnp.float32)
    g1 = jnp.ones((64,), dtype=jnp.float32)
    be1 = jnp.zeros((64,), dtype=jnp.float32)
    W2 = 0.1 * jax.random.normal(ks[3], (128, 64), dtype=jnp.float32)
    b2 = jnp.zeros((128,), dtype=jnp.float32)
    g2 = jnp.ones((128,), dtype=jnp.float32)
    be2 = jnp.zeros((128,), dtype=jnp.float32)
    W3 = 0.05 * jax.random.normal(ks[4], (FEATURE_DIM, 128), dtype=jnp.float32)
    b3 = jnp.zeros((FEATURE_DIM,), dtype=jnp.float32)
    return {"points": points, "batch_indices": batch_indices, "W1": W1, "b1": b1, "g1": g1, "be1": be1, "W2": W2, "b2": b2, "g2": g2, "be2": be2, "W3": W3, "b3": b3}


def reference(points, batch_indices, W1, b1, g1, be1, W2, b2, g2, be2, W3, b3):
    return _forward(points, batch_indices, W1, b1, g1, be1, W2, b2, g2, be2, W3, b3)

if __name__ == "__main__":
    import jax
    _d = setup_inputs()
    print(jax.jit(kernel)(*tuple(_d.values())))

</pallas_src>

<mosaic_0001>
#map = affine_map<(d0, d1) -> (0, 0)>
#map1 = affine_map<(d0, d1) -> (0)>
module attributes {stable_mosaic.version = 14 : i64} {
  func.func @_scatter_max_kernel(%arg0: i32, %arg1: i32, %arg2: memref<256x65536xf32, #tpu.memory_space<hbm>>, %arg3: memref<65536xi32, #tpu.memory_space<hbm>>, %arg4: memref<32047104xf32, #tpu.memory_space<hbm>>, %arg5: memref<125184xf32, #tpu.memory_space<vmem>>, %arg6: memref<1024xi32, #tpu.memory_space<vmem>>, %arg7: memref<1024xi32, #tpu.memory_space<vmem>>, %arg8: memref<1024xf32, #tpu.memory_space<vmem>>, %arg9: memref<1024xf32, #tpu.memory_space<vmem>>, %arg10: memref<!tpu.dma_semaphore, #tpu.memory_space<semaphore_mem>>, %arg11: memref<!tpu.dma_semaphore, #tpu.memory_space<semaphore_mem>>) attributes {dimension_semantics = [#tpu.dimension_semantics<core_parallel>, #tpu.dimension_semantics<subcore_parallel>], iteration_bounds = array<i64: 2, 16>, scalar_prefetch = 0 : i64, scratch_operands = 7 : i64, tpu.core_type = #tpu.core_type<sc_vector_subcore>, window_params = [{transform_indices = #map}, {transform_indices = #map1}, {transform_indices = #map1}]} {
    %mul3A = arith.constant 2 : i32
    %mul3A_0 = arith.muli %arg1, %mul3A : i32
    %add3A = arith.addi %mul3A_0, %arg0 : i32
    %mul3A_1 = arith.constant 8 : i32
    %mul3A_2 = arith.muli %add3A, %mul3A_1 : i32
    %broadcast_in_dim3A = arith.constant false
    %broadcast_in_dim3A_3 = vector.broadcast %broadcast_in_dim3A : i1 to vector<16xi1>
    %scan3A = arith.constant 0 : i32
    %scan3A_4 = arith.constant 0 : i32
    %scan3A_5 = arith.constant 8 : i32
    %scan3A_6 = arith.addi %scan3A_4, %scan3A_5 : i32
    %scan3A_7 = arith.constant 1 : i32
    scf.for %scan3A_9 = %scan3A_4 to %scan3A_6 step %scan3A_7  : i32 {
      %add3A_10 = arith.addi %mul3A_2, %scan3A_9 : i32
      %broadcast_in_dim3A_11 = arith.constant 0.000000e+00 : f32
      %broadcast_in_dim3A_12 = vector.broadcast %broadcast_in_dim3A_11 : f32 to vector<16xf32>
      %scan3A_13 = arith.constant 0 : i32
      %scan3A_14 = arith.constant 0 : i32
      %scan3A_15 = arith.constant 978 : i32
      %scan3A_16 = arith.addi %scan3A_14, %scan3A_15 : i32
      %scan3A_17 = arith.constant 1 : i32
      scf.for %scan3A_50 = %scan3A_14 to %scan3A_16 step %scan3A_17  : i32 {
        %mul3A_51 = arith.constant 128 : i32
        %mul3A_52 = arith.muli %scan3A_50, %mul3A_51 : i32
        %add3A_53 = arith.constant 0 : i32
        %add3A_54 = arith.addi %mul3A_52, %add3A_53 : i32
        %swap3A = arith.index_cast %add3A_54 : i32 to index
        %swap3A_55 = tpu.vector_load %arg5[%swap3A] {strides = array<i32>} : memref<125184xf32, #tpu.memory_space<vmem>>, vector<16xf32>,
        tpu.vector_store %arg5[%swap3A], %broadcast_in_dim3A_12 {strides = array<i32>} : memref<125184xf32, #tpu.memory_space<vmem>>, vector<16xf32>,
        %mul3A_56 = arith.constant 128 : i32
        %mul3A_57 = arith.muli %scan3A_50, %mul3A_56 : i32
        %add3A_58 = arith.constant 16 : i32
        %add3A_59 = arith.addi %mul3A_57, %add3A_58 : i32
        %swap3A_60 = arith.index_cast %add3A_59 : i32 to index
        %swap3A_61 = tpu.vector_load %arg5[%swap3A_60] {strides = array<i32>} : memref<125184xf32, #tpu.memory_space<vmem>>, vector<16xf32>,
        tpu.vector_store %arg5[%swap3A_60], %broadcast_in_dim3A_12 {strides = array<i32>} : memref<125184xf32, #tpu.memory_space<vmem>>, vector<16xf32>,
        %mul3A_62 = arith.constant 128 : i32
        %mul3A_63 = arith.muli %scan3A_50, %mul3A_62 : i32
        %add3A_64 = arith.constant 32 : i32
        %add3A_65 = arith.addi %mul3A_63, %add3A_64 : i32
        %swap3A_66 = arith.index_cast %add3A_65 : i32 to index
        %swap3A_67 = tpu.vector_load %arg5[%swap3A_66] {strides = array<i32>} : memref<125184xf32, #tpu.memory_space<vmem>>, vector<16xf32>,
        tpu.vector_store %arg5[%swap3A_66], %broadcast_in_dim3A_12 {strides = array<i32>} : memref<125184xf32, #tpu.memory_space<vmem>>, vector<16xf32>,
        %mul3A_68 = arith.constant 128 : i32
        %mul3A_69 = arith.muli %scan3A_50, %mul3A_68 : i32
        %add3A_70 = arith.constant 48 : i32
        %add3A_71 = arith.addi %mul3A_69, %add3A_70 : i32
        %swap3A_72 = arith.index_cast %add3A_71 : i32 to index
        %swap3A_73 = tpu.vector_load %arg5[%swap3A_72] {strides = array<i32>} : memref<125184xf32, #tpu.memory_space<vmem>>, vector<16xf32>,
        tpu.vector_store %arg5[%swap3A_72], %broadcast_in_dim3A_12 {strides = array<i32>} : memref<125184xf32, #tpu.memory_space<vmem>>, vector<16xf32>,
        %mul3A_74 = arith.constant 128 : i32
        %mul3A_75 = arith.muli %scan3A_50, %mul3A_74 : i32
        %add3A_76 = arith.constant 64 : i32
        %add3A_77 = arith.addi %mul3A_75, %add3A_76 : i32
        %swap3A_78 = arith.index_cast %add3A_77 : i32 to index
        %swap3A_79 = tpu.vector_load %arg5[%swap3A_78] {strides = array<i32>} : memref<125184xf32, #tpu.memory_space<vmem>>, vector<16xf32>,
        tpu.vector_store %arg5[%swap3A_78], %broadcast_in_dim3A_12 {strides = array<i32>} : memref<125184xf32, #tpu.memory_space<vmem>>, vector<16xf32>,
        %mul3A_80 = arith.constant 128 : i32
        %mul3A_81 = arith.muli %scan3A_50, %mul3A_80 : i32
        %add3A_82 = arith.constant 80 : i32
        %add3A_83 = arith.addi %mul3A_81, %add3A_82 : i32
        %swap3A_84 = arith.index_cast %add3A_83 : i32 to index
        %swap3A_85 = tpu.vector_load %arg5[%swap3A_84] {strides = array<i32>} : memref<125184xf32, #tpu.memory_space<vmem>>, vector<16xf32>,
        tpu.vector_store %arg5[%swap3A_84], %broadcast_in_dim3A_12 {strides = array<i32>} : memref<125184xf32, #tpu.memory_space<vmem>>, vector<16xf32>,
        %mul3A_86 = arith.constant 128 : i32
        %mul3A_87 = arith.muli %scan3A_50, %mul3A_86 : i32
        %add3A_88 = arith.constant 96 : i32
        %add3A_89 = arith.addi %mul3A_87, %add3A_88 : i32
        %swap3A_90 = arith.index_cast %add3A_89 : i32 to index
        %swap3A_91 = tpu.vector_load %arg5[%swap3A_90] {strides = array<i32>} : memref<125184xf32, #tpu.memory_space<vmem>>, vector<16xf32>,
        tpu.vector_store %arg5[%swap3A_90], %broadcast_in_dim3A_12 {strides = array<i32>} : memref<125184xf32, #tpu.memory_space<vmem>>, vector<16xf32>,
        %mul3A_92 = arith.constant 128 : i32
        %mul3A_93 = arith.muli %scan3A_50, %mul3A_92 : i32
        %add3A_94 = arith.constant 112 : i32
        %add3A_95 = arith.addi %mul3A_93, %add3A_94 : i32
        %swap3A_96 = arith.index_cast %add3A_95 : i32 to index
        %swap3A_97 = tpu.vector_load %arg5[%swap3A_96] {strides = array<i32>} : memref<125184xf32, #tpu.memory_space<vmem>>, vector<16xf32>,
        tpu.vector_store %arg5[%swap3A_96], %broadcast_in_dim3A_12 {strides = array<i32>} : memref<125184xf32, #tpu.memory_space<vmem>>, vector<16xf32>,
      }
      %scan3A_18 = arith.constant 978 : i32
      %dma_start3A = arith.constant 0 : i32
      %dma_start3A_19 = tpu.memref_slice %arg3[%dma_start3A] : memref<65536xi32, #tpu.memory_space<hbm>> -> memref<1024xi32, #tpu.memory_space<hbm>>
      %dma_start3A_20 = arith.constant 0 : i32
      %dma_start3A_21 = tpu.memref_slice %arg3[%dma_start3A_20] : memref<65536xi32, #tpu.memory_space<hbm>> -> memref<1024xi32, #tpu.memory_space<hbm>>
      tpu.enqueue_dma source(%dma_start3A_21 : memref<1024xi32, #tpu.memory_space<hbm>>) target(%arg6 : memref<1024xi32, #tpu.memory_space<vmem>>) target_semaphore(%arg10 : memref<!tpu.dma_semaphore, #tpu.memory_space<semaphore_mem>>)
      %dma_start3A_22 = arith.constant 0 : i32
      %dma_start3A_23 = tpu.memref_slice %arg2[%add3A_10, %dma_start3A_22] : memref<256x65536xf32, #tpu.memory_space<hbm>> -> memref<1x1024xf32, #tpu.memory_space<hbm>>
      %dma_start3A_24 = tpu.memref_squeeze %dma_start3A_23 : memref<1x1024xf32, #tpu.memory_space<hbm>> -> memref<1024xf32, #tpu.memory_space<hbm>>
      %dma_start3A_25 = arith.constant 0 : i32
      %dma_start3A_26 = tpu.memref_slice %arg2[%add3A_10, %dma_start3A_25] : memref<256x65536xf32, #tpu.memory_space<hbm>> -> memref<1x1024xf32, #tpu.memory_space<hbm>>
      %dma_start3A_27 = tpu.memref_squeeze %dma_start3A_26 : memref<1x1024xf32, #tpu.memory_space<hbm>> -> memref<1024xf32, #tpu.memory_space<hbm>>
      tpu.enqueue_dma source(%dma_start3A_27 : memref<1024xf32, #tpu.memory_space<hbm>>) target(%arg8 : memref<1024xf32, #tpu.memory_space<vmem>>) target_semaphore(%arg10 : memref<!tpu.dma_semaphore, #tpu.memory_space<semaphore_mem>>)
      %scan3A_28 = arith.constant 0 : i32
      %scan3A_29 = arith.constant 0 : i32
      %scan3A_30 = arith.constant 32 : i32
      %scan3A_31 = arith.addi %scan3A_29, %scan3A_30 : i32
      %scan3A_32 = arith.constant 1 : i32
      scf.for %scan3A_50 = %scan3A_29 to %scan3A_31 step %scan3A_32  : i32 {
        %mul3A_51 = arith.constant 2 : i32
        %mul3A_52 = arith.muli %mul3A_51, %scan3A_50 : i32
        %add3A_53 = arith.constant 1 : i32
        %add3A_54 = arith.addi %mul3A_52, %add3A_53 : i32
        %mul3A_55 = arith.constant 1024 : i32
        %mul3A_56 = arith.muli %add3A_54, %mul3A_55 : i32
        %dma_start3A_57 = tpu.memref_slice %arg3[%mul3A_56] : memref<65536xi32, #tpu.memory_space<hbm>> -> memref<1024xi32, #tpu.memory_space<hbm>>
        %dma_start3A_58 = tpu.memref_slice %arg3[%mul3A_56] : memref<65536xi32, #tpu.memory_space<hbm>> -> memref<1024xi32, #tpu.memory_space<hbm>>
        tpu.enqueue_dma source(%dma_start3A_58 : memref<1024xi32, #tpu.memory_space<hbm>>) target(%arg7 : memref<1024xi32, #tpu.memory_space<vmem>>) target_semaphore(%arg11 : memref<!tpu.dma_semaphore, #tpu.memory_space<semaphore_mem>>)
        %dma_start3A_59 = tpu.memref_slice %arg2[%add3A_10, %mul3A_56] : memref<256x65536xf32, #tpu.memory_space<hbm>> -> memref<1x1024xf32, #tpu.memory_space<hbm>>
        %dma_start3A_60 = tpu.memref_squeeze %dma_start3A_59 : memref<1x1024xf32, #tpu.memory_space<hbm>> -> memref<1024xf32, #tpu.memory_space<hbm>>
        %dma_start3A_61 = tpu.memref_slice %arg2[%add3A_10, %mul3A_56] : memref<256x65536xf32, #tpu.memory_space<hbm>> -> memref<1x1024xf32, #tpu.memory_space<hbm>>
        %dma_start3A_62 = tpu.memref_squeeze %dma_start3A_61 : memref<1x1024xf32, #tpu.memory_space<hbm>> -> memref<1024xf32, #tpu.memory_space<hbm>>
        tpu.enqueue_dma source(%dma_start3A_62 : memref<1024xf32, #tpu.memory_space<hbm>>) target(%arg9 : memref<1024xf32, #tpu.memory_space<vmem>>) target_semaphore(%arg11 : memref<!tpu.dma_semaphore, #tpu.memory_space<semaphore_mem>>)
        %mul3A_63 = arith.constant 1024 : i32
        %mul3A_64 = arith.muli %mul3A_52, %mul3A_63 : i32
        %dma_wait3A_65 = tpu.memref_slice %arg3[%mul3A_64] : memref<65536xi32, #tpu.memory_space<hbm>> -> memref<1024xi32, #tpu.memory_space<hbm>>
        %dma_wait3A_66 = tpu.memref_slice %arg3[%mul3A_64] : memref<65536xi32, #tpu.memory_space<hbm>> -> memref<1024xi32, #tpu.memory_space<hbm>>
        tpu.wait_dma2 semaphore(%arg10 : memref<!tpu.dma_semaphore, #tpu.memory_space<semaphore_mem>>) src(%dma_wait3A_66 : memref<1024xi32, #tpu.memory_space<hbm>>) dst(%arg6 : memref<1024xi32, #tpu.memory_space<vmem>>)
        %dma_wait3A_67 = tpu.memref_slice %arg2[%add3A_10, %mul3A_64] : memref<256x65536xf32, #tpu.memory_space<hbm>> -> memref<1x1024xf32, #tpu.memory_space<hbm>>
        %dma_wait3A_68 = tpu.memref_squeeze %dma_wait3A_67 : memref<1x1024xf32, #tpu.memory_space<hbm>> -> memref<1024xf32, #tpu.memory_space<hbm>>
        %dma_wait3A_69 = tpu.memref_slice %arg2[%add3A_10, %mul3A_64] : memref<256x65536xf32, #tpu.memory_space<hbm>> -> memref<1x1024xf32, #tpu.memory_space<hbm>>
        %dma_wait3A_70 = tpu.memref_squeeze %dma_wait3A_69 : memref<1x1024xf32, #tpu.memory_space<hbm>> -> memref<1024xf32, #tpu.memory_space<hbm>>
        tpu.wait_dma2 semaphore(%arg10 : memref<!tpu.dma_semaphore, #tpu.memory_space<semaphore_mem>>) src(%dma_wait3A_70 : memref<1024xf32, #tpu.memory_space<hbm>>) dst(%arg8 : memref<1024xf32, #tpu.memory_space<vmem>>)
        %scan3A_71 = arith.constant 0 : i32
        %scan3A_72 = arith.constant 8 : i32
        %scan3A_73 = arith.addi %scan3A_71, %scan3A_72 : i32
        %scan3A_74 = arith.constant 1 : i32
        %scan3A_75 = scf.for %scan3A_105 = %scan3A_71 to %scan3A_73 step %scan3A_74 iter_args(%scan3A_106 = %broadcast_in_dim3A_3) -> (vector<16xi1>)  : i32 {
          %mul3A_107 = arith.constant 8 : i32
          %mul3A_108 = arith.muli %scan3A_105, %mul3A_107 : i32
          %add3A_109 = arith.constant 0 : i32
          %add3A_110 = arith.addi %mul3A_108, %add3A_109 : i32
          %mul3A_111 = arith.constant 16 : i32
          %mul3A_112 = arith.muli %add3A_110, %mul3A_111 : i32
          %get3A = arith.index_cast %mul3A_112 : i32 to index
          %get3A_113 = tpu.vector_load %arg6[%get3A] {strides = array<i32>} : memref<1024xi32, #tpu.memory_space<vmem>>, vector<16xi32>,
          %mul3A_114 = arith.constant 16 : i32
          %mul3A_115 = arith.muli %add3A_110, %mul3A_114 : i32
          %get3A_116 = arith.index_cast %mul3A_115 : i32 to index
          %get3A_117 = tpu.vector_load %arg8[%get3A_116] {strides = array<i32>} : memref<1024xf32, #tpu.memory_space<vmem>>, vector<16xf32>,
          %gather3A = tpu.vector_load_idx %arg5[%get3A_113] : memref<125184xf32, #tpu.memory_space<vmem>>[vector<16xi32>], vector<16xf32>,
          %gt3A = arith.cmpf ogt, %get3A_117, %gather3A : vector<16xf32>
          tpu.vector_store_idx %arg5[%get3A_113], %get3A_117 masked %gt3A : memref<125184xf32, #tpu.memory_space<vmem>>[vector<16xi32>], vector<16xf32>, vector<16xi1>
          %gather3A_118 = tpu.vector_load_idx %arg5[%get3A_113] : memref<125184xf32, #tpu.memory_space<vmem>>[vector<16xi32>], vector<16xf32>,
          %gt3A_119 = arith.cmpf ogt, %get3A_117, %gather3A_118 : vector<16xf32>
          %or3A = arith.ori %scan3A_106, %gt3A_119 : vector<16xi1>
          %mul3A_120 = arith.constant 8 : i32
          %mul3A_121 = arith.muli %scan3A_105, %mul3A_120 : i32
          %add3A_122 = arith.constant 1 : i32
          %add3A_123 = arith.addi %mul3A_121, %add3A_122 : i32
          %mul3A_124 = arith.constant 16 : i32
          %mul3A_125 = arith.muli %add3A_123, %mul3A_124 : i32
          %get3A_126 = arith.index_cast %mul3A_125 : i32 to index
          %get3A_127 = tpu.vector_load %arg6[%get3A_126] {strides = array<i32>} : memref<1024xi32, #tpu.memory_space<vmem>>, vector<16xi32>,
          %mul3A_128 = arith.constant 16 : i32
          %mul3A_129 = arith.muli %add3A_123, %mul3A_128 : i32
          %get3A_130 = arith.index_cast %mul3A_129 : i32 to index
          %get3A_131 = tpu.vector_load %arg8[%get3A_130] {strides = array<i32>} : memref<1024xf32, #tpu.memory_space<vmem>>, vector<16xf32>,
          %gather3A_132 = tpu.vector_load_idx %arg5[%get3A_127] : memref<125184xf32, #tpu.memory_space<vmem>>[vector<16xi32>], vector<16xf32>,
          %gt3A_133 = arith.cmpf ogt, %get3A_131, %gather3A_132 : vector<16xf32>
          tpu.vector_store_idx %arg5[%get3A_127], %get3A_131 masked %gt3A_133 : memref<125184xf32, #tpu.memory_space<vmem>>[vector<16xi32>], vector<16xf32>, vector<16xi1>
          %gather3A_134 = tpu.vector_load_idx %arg5[%get3A_127] : memref<125184xf32, #tpu.memory_space<vmem>>[vector<16xi32>], vector<16xf32>,
          %gt3A_135 = arith.cmpf ogt, %get3A_131, %gather3A_134 : vector<16xf32>
          %or3A_136 = arith.ori %or3A, %gt3A_135 : vector<16xi1>
          %mul3A_137 = arith.constant 8 : i32
          %mul3A_138 = arith.muli %scan3A_105, %mul3A_137 : i32
          %add3A_139 = arith.constant 2 : i32
          %add3A_140 = arith.addi %mul3A_138, %add3A_139 : i32
          %mul3A_141 = arith.constant 16 : i32
          %mul3A_142 = arith.muli %add3A_140, %mul3A_141 : i32
          %get3A_143 = arith.index_cast %mul3A_142 : i32 to index
          %get3A_144 = tpu.vector_load %arg6[%get3A_143] {strides = array<i32>} : memref<1024xi32, #tpu.memory_space<vmem>>, vector<16xi32>,
          %mul3A_145 = arith.constant 16 : i32
          %mul3A_146 = arith.muli %add3A_140, %mul3A_145 : i32
          %get3A_147 = arith.index_cast %mul3A_146 : i32 to index
          %get3A_148 = tpu.vector_load %arg8[%get3A_147] {strides = array<i32>} : memref<1024xf32, #tpu.memory_space<vmem>>, vector<16xf32>,
          %gather3A_149 = tpu.vector_load_idx %arg5[%get3A_144] : memref<125184xf32, #tpu.memory_space<vmem>>[vector<16xi32>], vector<16xf32>,
          %gt3A_150 = arith.cmpf ogt, %get3A_148, %gather3A_149 : vector<16xf32>
          tpu.vector_store_idx %arg5[%get3A_144], %get3A_148 masked %gt3A_150 : memref<125184xf32, #tpu.memory_space<vmem>>[vector<16xi32>], vector<16xf32>, vector<16xi1>
          %gather3A_151 = tpu.vector_load_idx %arg5[%get3A_144] : memref<125184xf32, #tpu.memory_space<vmem>>[vector<16xi32>], vector<16xf32>,
          %gt3A_152 = arith.cmpf ogt, %get3A_148, %gather3A_151 : vector<16xf32>
          %or3A_153 = arith.ori %or3A_136, %gt3A_152 : vector<16xi1>
          %mul3A_154 = arith.constant 8 : i32
          %mul3A_155 = arith.muli %scan3A_105, %mul3A_154 : i32
          %add3A_156 = arith.constant 3 : i32
          %add3A_157 = arith.addi %mul3A_155, %add3A_156 : i32
          %mul3A_158 = arith.constant 16 : i32
          %mul3A_159 = arith.muli %add3A_157, %mul3A_158 : i32
          %get3A_160 = arith.index_cast %mul3A_159 : i32 to index
          %get3A_161 = tpu.vector_load %arg6[%get3A_160] {strides = array<i32>} : memref<1024xi32, #tpu.memory_space<vmem>>, vector<16xi32>,
          %mul3A_162 = arith.constant 16 : i32
          %mul3A_163 = arith.muli %add3A_157, %mul3A_162 : i32
          %get3A_164 = arith.index_cast %mul3A_163 : i32 to index
          %get3A_165 = tpu.vector_load %arg8[%get3A_164] {strides = array<i32>} : memref<1024xf32, #tpu.memory_space<vmem>>, vector<16xf32>,
          %gather3A_166 = tpu.vector_load_idx %arg5[%get3A_161] : memref<125184xf32, #tpu.memory_space<vmem>>[vector<16xi32>], vector<16xf32>,
          %gt3A_167 = arith.cmpf ogt, %get3A_165, %gather3A_166 : vector<16xf32>
          tpu.vector_store_idx %arg5[%get3A_161], %get3A_165 masked %gt3A_167 : memref<125184xf32, #tpu.memory_space<vmem>>[vector<16xi32>], vector<16xf32>, vector<16xi1>
          %gather3A_168 = tpu.vector_load_idx %arg5[%get3A_161] : memref<125184xf32, #tpu.memory_space<vmem>>[vector<16xi32>], vector<16xf32>,
          %gt3A_169 = arith.cmpf ogt, %get3A_165, %gather3A_168 : vector<16xf32>
          %or3A_170 = arith.ori %or3A_153, %gt3A_169 : vector<16xi1>
          %mul3A_171 = arith.constant 8 : i32
          %mul3A_172 = arith.muli %scan3A_105, %mul3A_171 : i32
          %add3A_173 = arith.constant 4 : i32
          %add3A_174 = arith.addi %mul3A_172, %add3A_173 : i32
          %mul3A_175 = arith.constant 16 : i32
          %mul3A_176 = arith.muli %add3A_174, %mul3A_175 : i32
          %get3A_177 = arith.index_cast %mul3A_176 : i32 to index
          %get3A_178 = tpu.vector_load %arg6[%get3A_177] {strides = array<i32>} : memref<1024xi32, #tpu.memory_space<vmem>>, vector<16xi32>,
          %mul3A_179 = arith.constant 16 : i32
          %mul3A_180 = arith.muli %add3A_174, %mul3A_179 : i32
          %get3A_181 = arith.index_cast %mul3A_180 : i32 to index
          %get3A_182 = tpu.vector_load %arg8[%get3A_181] {strides = array<i32>} : memref<1024xf32, #tpu.memory_space<vmem>>, vector<16xf32>,
          %gather3A_183 = tpu.vector_load_idx %arg5[%get3A_178] : memref<125184xf32, #tpu.memory_space<vmem>>[vector<16xi32>], vector<16xf32>,
          %gt3A_184 = arith.cmpf ogt, %get3A_182, %gather3A_183 : vector<16xf32>
          tpu.vector_store_idx %arg5[%get3A_178], %get3A_182 masked %gt3A_184 : memref<125184xf32, #tpu.memory_space<vmem>>[vector<16xi32>], vector<16xf32>, vector<16xi1>
          %gather3A_185 = tpu.vector_load_idx %arg5[%get3A_178] : memref<125184xf32, #tpu.memory_space<vmem>>[vector<16xi32>], vector<16xf32>,
          %gt3A_186 = arith.cmpf ogt, %get3A_182, %gather3A_185 : vector<16xf32>
          %or3A_187 = arith.ori %or3A_170, %gt3A_186 : vector<16xi1>
          %mul3A_188 = arith.constant 8 : i32
          %mul3A_189 = arith.muli %scan3A_105, %mul3A_188 : i32
          %add3A_190 = arith.constant 5 : i32
          %add3A_191 = arith.addi %mul3A_189, %add3A_190 : i32
          %mul3A_192 = arith.constant 16 : i32
          %mul3A_193 = arith.muli %add3A_191, %mul3A_192 : i32
          %get3A_194 = arith.index_cast %mul3A_193 : i32 to index
          %get3A_195 = tpu.vector_load %arg6[%get3A_194] {strides = array<i32>} : memref<1024xi32, #tpu.memory_space<vmem>>, vector<16xi32>,
          %mul3A_196 = arith.constant 16 : i32
          %mul3A_197 = arith.muli %add3A_191, %mul3A_196 : i32
          %get3A_198 = arith.index_cast %mul3A_197 : i32 to index
          %get3A_199 = tpu.vector_load %arg8[%get3A_198] {strides = array<i32>} : memref<1024xf32, #tpu.memory_space<vmem>>, vector<16xf32>,
          %gather3A_200 = tpu.vector_load_idx %arg5[%get3A_195] : memref<125184xf32, #tpu.memory_space<vmem>>[vector<16xi32>], vector<16xf32>,
          %gt3A_201 = arith.cmpf ogt, %get3A_199, %gather3A_200 : vector<16xf32>
          tpu.vector_store_idx %arg5[%get3A_195], %get3A_199 masked %gt3A_201 : memref<125184xf32, #tpu.memory_space<vmem>>[vector<16xi32>], vector<16xf32>, vector<16xi1>
          %gather3A_202 = tpu.vector_load_idx %arg5[%get3A_195] : memref<125184xf32, #tpu.memory_space<vmem>>[vector<16xi32>], vector<16xf32>,
          %gt3A_203 = arith.cmpf ogt, %get3A_199, %gather3A_202 : vector<16xf32>
          %or3A_204 = arith.ori %or3A_187, %gt3A_203 : vector<16xi1>
          %mul3A_205 = arith.constant 8 : i32
          %mul3A_206 = arith.muli %scan3A_105, %mul3A_205 : i32
          %add3A_207 = arith.constant 6 : i32
          %add3A_208 = arith.addi %mul3A_206, %add3A_207 : i32
          %mul3A_209 = arith.constant 16 : i32
          %mul3A_210 = arith.muli %add3A_208, %mul3A_209 : i32
          %get3A_211 = arith.index_cast %mul3A_210 : i32 to index
          %get3A_212 = tpu.vector_load %arg6[%get3A_211] {strides = array<i32>} : memref<1024xi32, #tpu.memory_space<vmem>>, vector<16xi32>,
          %mul3A_213 = arith.constant 16 : i32
          %mul3A_214 = arith.muli %add3A_208, %mul3A_213 : i32
          %get3A_215 = arith.index_cast %mul3A_214 : i32 to index
          %get3A_216 = tpu.vector_load %arg8[%get3A_215] {strides = array<i32>} : memref<1024xf32, #tpu.memory_space<vmem>>, vector<16xf32>,
          %gather3A_217 = tpu.vector_load_idx %arg5[%get3A_212] : memref<125184xf32, #tpu.memory_space<vmem>>[vector<16xi32>], vector<16xf32>,
          %gt3A_218 = arith.cmpf ogt, %get3A_216, %gather3A_217 : vector<16xf32>
          tpu.vector_store_idx %arg5[%get3A_212], %get3A_216 masked %gt3A_218 : memref<125184xf32, #tpu.memory_space<vmem>>[vector<16xi32>], vector<16xf32>, vector<16xi1>
          %gather3A_219 = tpu.vector_load_idx %arg5[%get3A_212] : memref<125184xf32, #tpu.memory_space<vmem>>[vector<16xi32>], vector<16xf32>,
          %gt3A_220 = arith.cmpf ogt, %get3A_216, %gather3A_219 : vector<16xf32>
          %or3A_221 = arith.ori %or3A_204, %gt3A_220 : vector<16xi1>
          %mul3A_222 = arith.constant 8 : i32
          %mul3A_223 = arith.muli %scan3A_105, %mul3A_222 : i32
          %add3A_224 = arith.constant 7 : i32
          %add3A_225 = arith.addi %mul3A_223, %add3A_224 : i32
          %mul3A_226 = arith.constant 16 : i32
          %mul3A_227 = arith.muli %add3A_225, %mul3A_226 : i32
          %get3A_228 = arith.index_cast %mul3A_227 : i32 to index
          %get3A_229 = tpu.vector_load %arg6[%get3A_228] {strides = array<i32>} : memref<1024xi32, #tpu.memory_space<vmem>>, vector<16xi32>,
          %mul3A_230 = arith.constant 16 : i32
          %mul3A_231 = arith.muli %add3A_225, %mul3A_230 : i32
          %get3A_232 = arith.index_cast %mul3A_231 : i32 to index
          %get3A_233 = tpu.vector_load %arg8[%get3A_232] {strides = array<i32>} : memref<1024xf32, #tpu.memory_space<vmem>>, vector<16xf32>,
          %gather3A_234 = tpu.vector_load_idx %arg5[%get3A_229] : memref<125184xf32, #tpu.memory_space<vmem>>[vector<16xi32>], vector<16xf32>,
          %gt3A_235 = arith.cmpf ogt, %get3A_233, %gather3A_234 : vector<16xf32>
          tpu.vector_store_idx %arg5[%get3A_229], %get3A_233 masked %gt3A_235 : memref<125184xf32, #tpu.memory_space<vmem>>[vector<16xi32>], vector<16xf32>, vector<16xi1>
          %gather3A_236 = tpu.vector_load_idx %arg5[%get3A_229] : memref<125184xf32, #tpu.memory_space<vmem>>[vector<16xi32>], vector<16xf32>,
          %gt3A_237 = arith.cmpf ogt, %get3A_233, %gather3A_236 : vector<16xf32>
          %or3A_238 = arith.ori %or3A_221, %gt3A_237 : vector<16xi1>
          scf.yield %or3A_238 : vector<16xi1>
        }
        %scan3A_76 = arith.constant 8 : i32
        %while3A = scf.while (%while3A_105 = %scan3A_75) : (vector<16xi1>) -> vector<16xi1> {
          %convert_element_type3A = arith.extui %while3A_105 : vector<16xi1> to vector<16xi32>
          %reduce_max3A = arith.constant true
          %reduce_max3A_106 = vector.broadcast %reduce_max3A : i1 to vector<16xi1>
          %reduce_max3A_107 = arith.constant -2147483648 : i32
          %reduce_max3A_108 = vector.broadcast %reduce_max3A_107 : i32 to vector<16xi32>
          %reduce_max3A_109 = arith.xori %convert_element_type3A, %reduce_max3A_108 : vector<16xi32>
          %reduce_max3A_110 = tpu.scan <max>, %reduce_max3A_109 masked %reduce_max3A_106 : vector<16xi32>, vector<16xi1> -> vector<16xi32>
          %reduce_max3A_111 = arith.xori %reduce_max3A_110, %reduce_max3A_108 : vector<16xi32>
          %reduce_max3A_112 = vector.extract %reduce_max3A_111[15] : i32 from vector<16xi32>
          %gt3A = arith.constant 0 : i32
          %gt3A_113 = arith.cmpi sgt, %reduce_max3A_112, %gt3A : i32
          scf.condition(%gt3A_113) %while3A_105 : vector<16xi1>
        } do {
        ^bb0(%while3A_105: vector<16xi1>):
          %scan3A_106 = arith.constant 0 : i32
          %scan3A_107 = arith.constant 8 : i32
          %scan3A_108 = arith.addi %scan3A_106, %scan3A_107 : i32
          %scan3A_109 = arith.constant 1 : i32
          %scan3A_110 = scf.for %scan3A_112 = %scan3A_106 to %scan3A_108 step %scan3A_109 iter_args(%scan3A_113 = %broadcast_in_dim3A_3) -> (vector<16xi1>)  : i32 {
            %mul3A_114 = arith.constant 8 : i32
            %mul3A_115 = arith.muli %scan3A_112, %mul3A_114 : i32
            %add3A_116 = arith.constant 0 : i32
            %add3A_117 = arith.addi %mul3A_115, %add3A_116 : i32
            %mul3A_118 = arith.constant 16 : i32
            %mul3A_119 = arith.muli %add3A_117, %mul3A_118 : i32
            %get3A = arith.index_cast %mul3A_119 : i32 to index
            %get3A_120 = tpu.vector_load %arg6[%get3A] {strides = array<i32>} : memref<1024xi32, #tpu.memory_space<vmem>>, vector<16xi32>,
            %mul3A_121 = arith.constant 16 : i32
            %mul3A_122 = arith.muli %add3A_117, %mul3A_121 : i32
            %get3A_123 = arith.index_cast %mul3A_122 : i32 to index
            %get3A_124 = tpu.vector_load %arg8[%get3A_123] {strides = array<i32>} : memref<1024xf32, #tpu.memory_space<vmem>>, vector<16xf32>,
            %gather3A = tpu.vector_load_idx %arg5[%get3A_120] : memref<125184xf32, #tpu.memory_space<vmem>>[vector<16xi32>], vector<16xf32>,
            %gt3A = arith.cmpf ogt, %get3A_124, %gather3A : vector<16xf32>
            tpu.vector_store_idx %arg5[%get3A_120], %get3A_124 masked %gt3A : memref<125184xf32, #tpu.memory_space<vmem>>[vector<16xi32>], vector<16xf32>, vector<16xi1>
            %gather3A_125 = tpu.vector_load_idx %arg5[%get3A_120] : memref<125184xf32, #tpu.memory_space<vmem>>[vector<16xi32>], vector<16xf32>,
            %gt3A_126 = arith.cmpf ogt, %get3A_124, %gather3A_125 : vector<16xf32>
            %or3A = arith.ori %scan3A_113, %gt3A_126 : vector<16xi1>
            %mul3A_127 = arith.constant 8 : i32
            %mul3A_128 = arith.muli %scan3A_112, %mul3A_127 : i32
            %add3A_129 = arith.constant 1 : i32
            %add3A_130 = arith.addi %mul3A_128, %add3A_129 : i32
            %mul3A_131 = arith.constant 16 : i32
            %mul3A_132 = arith.muli %add3A_130, %mul3A_131 : i32
            %get3A_133 = arith.index_cast %mul3A_132 : i32 to index
            %get3A_134 = tpu.vector_load %arg6[%get3A_133] {strides = array<i32>} : memref<1024xi32, #tpu.memory_space<vmem>>, vector<16xi32>,
            %mul3A_135 = arith.constant 16 : i32
            %mul3A_136 = arith.muli %add3A_130, %mul3A_135 : i32
            %get3A_137 = arith.index_cast %mul3A_136 : i32 to index
            %get3A_138 = tpu.vector_load %arg8[%get3A_137] {strides = array<i32>} : memref<1024xf32, #tpu.memory_space<vmem>>, vector<16xf32>,
            %gather3A_139 = tpu.vector_load_idx %arg5[%get3A_134] : memref<125184xf32, #tpu.memory_space<vmem>>[vector<16xi32>], vector<16xf32>,
            %gt3A_140 = arith.cmpf ogt, %get3A_138, %gather3A_139 : vector<16xf32>
            tpu.vector_store_idx %arg5[%get3A_134], %get3A_138 masked %gt3A_140 : memref<125184xf32, #tpu.memory_space<vmem>>[vector<16xi32>], vector<16xf32>, vector<16xi1>
            %gather3A_141 = tpu.vector_load_idx %arg5[%get3A_134] : memref<125184xf32, #tpu.memory_space<vmem>>[vector<16xi32>], vector<16xf32>,
            %gt3A_142 = arith.cmpf ogt, %get3A_138, %gather3A_141 : vector<16xf32>
            %or3A_143 = arith.ori %or3A, %gt3A_142 : vector<16xi1>
            %mul3A_144 = arith.constant 8 : i32
            %mul3A_145 = arith.muli %scan3A_112, %mul3A_144 : i32
            %add3A_146 = arith.constant 2 : i32
            %add3A_147 = arith.addi %mul3A_145, %add3A_146 : i32
            %mul3A_148 = arith.constant 16 : i32
            %mul3A_149 = arith.muli %add3A_147, %mul3A_148 : i32
            %get3A_150 = arith.index_cast %mul3A_149 : i32 to index
            %get3A_151 = tpu.vector_load %arg6[%get3A_150] {strides = array<i32>} : memref<1024xi32, #tpu.memory_space<vmem>>, vector<16xi32>,
            %mul3A_152 = arith.constant 16 : i32
            %mul3A_153 = arith.muli %add3A_147, %mul3A_152 : i32
            %get3A_154 = arith.index_cast %mul3A_153 : i32 to index
            %get3A_155 = tpu.vector_load %arg8[%get3A_154] {strides = array<i32>} : memref<1024xf32, #tpu.memory_space<vmem>>, vector<16xf32>,
            %gather3A_156 = tpu.vector_load_idx %arg5[%get3A_151] : memref<125184xf32, #tpu.memory_space<vmem>>[vector<16xi32>], vector<16xf32>,
            %gt3A_157 = arith.cmpf ogt, %get3A_155, %gather3A_156 : vector<16xf32>
            tpu.vector_store_idx %arg5[%get3A_151], %get3A_155 masked %gt3A_157 : memref<125184xf32, #tpu.memory_space<vmem>>[vector<16xi32>], vector<16xf32>, vector<16xi1>
            %gather3A_158 = tpu.vector_load_idx %arg5[%get3A_151] : memref<125184xf32, #tpu.memory_space<vmem>>[vector<16xi32>], vector<16xf32>,
            %gt3A_159 = arith.cmpf ogt, %get3A_155, %gather3A_158 : vector<16xf32>
            %or3A_160 = arith.ori %or3A_143, %gt3A_159 : vector<16xi1>
            %mul3A_161 = arith.constant 8 : i32
            %mul3A_162 = arith.muli %scan3A_112, %mul3A_161 : i32
            %add3A_163 = arith.constant 3 : i32
            %add3A_164 = arith.addi %mul3A_162, %add3A_163 : i32
            %mul3A_165 = arith.constant 16 : i32
            %mul3A_166 = arith.muli %add3A_164, %mul3A_165 : i32
            %get3A_167 = arith.index_cast %mul3A_166 : i32 to index
            %get3A_168 = tpu.vector_load %arg6[%get3A_167] {strides = array<i32>} : memref<1024xi32, #tpu.memory_space<vmem>>, vector<16xi32>,
            %mul3A_169 = arith.constant 16 : i32
            %mul3A_170 = arith.muli %add3A_164, %mul3A_169 : i32
            %get3A_171 = arith.index_cast %mul3A_170 : i32 to index
            %get3A_172 = tpu.vector_load %arg8[%get3A_171] {strides = array<i32>} : memref<1024xf32, #tpu.memory_space<vmem>>, vector<16xf32>,
            %gather3A_173 = tpu.vector_load_idx %arg5[%get3A_168] : memref<125184xf32, #tpu.memory_space<vmem>>[vector<16xi32>], vector<16xf32>,
            %gt3A_174 = arith.cmpf ogt, %get3A_172, %gather3A_173 : vector<16xf32>
            tpu.vector_store_idx %arg5[%get3A_168], %get3A_172 masked %gt3A_174 : memref<125184xf32, #tpu.memory_space<vmem>>[vector<16xi32>], vector<16xf32>, vector<16xi1>
            %gather3A_175 = tpu.vector_load_idx %arg5[%get3A_168] : memref<125184xf32, #tpu.memory_space<vmem>>[vector<16xi32>], vector<16xf32>,
            %gt3A_176 = arith.cmpf ogt, %get3A_172, %gather3A_175 : vector<16xf32>
            %or3A_177 = arith.ori %or3A_160, %gt3A_176 : vector<16xi1>
            %mul3A_178 = arith.constant 8 : i32
            %mul3A_179 = arith.muli %scan3A_112, %mul3A_178 : i32
            %add3A_180 = arith.constant 4 : i32
            %add3A_181 = arith.addi %mul3A_179, %add3A_180 : i32
            %mul3A_182 = arith.constant 16 : i32
            %mul3A_183 = arith.muli %add3A_181, %mul3A_182 : i32
            %get3A_184 = arith.index_cast %mul3A_183 : i32 to index
            %get3A_185 = tpu.vector_load %arg6[%get3A_184] {strides = array<i32>} : memref<1024xi32, #tpu.memory_space<vmem>>, vector<16xi32>,
            %mul3A_186 = arith.constant 16 : i32
            %mul3A_187 = arith.muli %add3A_181, %mul3A_186 : i32
            %get3A_188 = arith.index_cast %mul3A_187 : i32 to index
            %get3A_189 = tpu.vector_load %arg8[%get3A_188] {strides = array<i32>} : memref<1024xf32, #tpu.memory_space<vmem>>, vector<16xf32>,
            %gather3A_190 = tpu.vector_load_idx %arg5[%get3A_185] : memref<125184xf32, #tpu.memory_space<vmem>>[vector<16xi32>], vector<16xf32>,
            %gt3A_191 = arith.cmpf ogt, %get3A_189, %gather3A_190 : vector<16xf32>
            tpu.vector_store_idx %arg5[%get3A_185], %get3A_189 masked %gt3A_191 : memref<125184xf32, #tpu.memory_space<vmem>>[vector<16xi32>], vector<16xf32>, vector<16xi1>
            %gather3A_192 = tpu.vector_load_idx %arg5[%get3A_185] : memref<125184xf32, #tpu.memory_space<vmem>>[vector<16xi32>], vector<16xf32>,
            %gt3A_193 = arith.cmpf ogt, %get3A_189, %gather3A_192 : vector<16xf32>
            %or3A_194 = arith.ori %or3A_177, %gt3A_193 : vector<16xi1>
            %mul3A_195 = arith.constant 8 : i32
            %mul3A_196 = arith.muli %scan3A_112, %mul3A_195 : i32
            %add3A_197 = arith.constant 5 : i32
            %add3A_198 = arith.addi %mul3A_196, %add3A_197 : i32
            %mul3A_199 = arith.constant 16 : i32
            %mul3A_200 = arith.muli %add3A_198, %mul3A_199 : i32
            %get3A_201 = arith.index_cast %mul3A_200 : i32 to index
            %get3A_202 = tpu.vector_load %arg6[%get3A_201] {strides = array<i32>} : memref<1024xi32, #tpu.memory_space<vmem>>, vector<16xi32>,
            %mul3A_203 = arith.constant 16 : i32
            %mul3A_204 = arith.muli %add3A_198, %mul3A_203 : i32
            %get3A_205 = arith.index_cast %mul3A_204 : i32 to index
            %get3A_206 = tpu.vector_load %arg8[%get3A_205] {strides = array<i32>} : memref<1024xf32, #tpu.memory_space<vmem>>, vector<16xf32>,
            %gather3A_207 = tpu.vector_load_idx %arg5[%get3A_202] : memref<125184xf32, #tpu.memory_space<vmem>>[vector<16xi32>], vector<16xf32>,
            %gt3A_208 = arith.cmpf ogt, %get3A_206, %gather3A_207 : vector<16xf32>
            tpu.vector_store_idx %arg5[%get3A_202], %get3A_206 masked %gt3A_208 : memref<125184xf32, #tpu.memory_space<vmem>>[vector<16xi32>], vector<16xf32>, vector<16xi1>
            %gather3A_209 = tpu.vector_load_idx %arg5[%get3A_202] : memref<125184xf32, #tpu.memory_space<vmem>>[vector<16xi32>], vector<16xf32>,
            %gt3A_210 = arith.cmpf ogt, %get3A_206, %gather3A_209 : vector<16xf32>
            %or3A_211 = arith.ori %or3A_194, %gt3A_210 : vector<16xi1>
            %mul3A_212 = arith.constant 8 : i32
            %mul3A_213 = arith.muli %scan3A_112, %mul3A_212 : i32
            %add3A_214 = arith.constant 6 : i32
            %add3A_215 = arith.addi %mul3A_213, %add3A_214 : i32
            %mul3A_216 = arith.constant 16 : i32
            %mul3A_217 = arith.muli %add3A_215, %mul3A_216 : i32
            %get3A_218 = arith.index_cast %mul3A_217 : i32 to index
            %get3A_219 = tpu.vector_load %arg6[%get3A_218] {strides = array<i32>} : memref<1024xi32, #tpu.memory_space<vmem>>, vector<16xi32>,
            %mul3A_220 = arith.constant 16 : i32
            %mul3A_221 = arith.muli %add3A_215, %mul3A_220 : i32
            %get3A_222 = arith.index_cast %mul3A_221 : i32 to index
            %get3A_223 = tpu.vector_load %arg8[%get3A_222] {strides = array<i32>} : memref<1024xf32, #tpu.memory_space<vmem>>, vector<16xf32>,
            %gather3A_224 = tpu.vector_load_idx %arg5[%get3A_219] : memref<125184xf32, #tpu.memory_space<vmem>>[vector<16xi32>], vector<16xf32>,
            %gt3A_225 = arith.cmpf ogt, %get3A_223, %gather3A_224 : vector<16xf32>
            tpu.vector_store_idx %arg5[%get3A_219], %get3A_223 masked %gt3A_225 : memref<125184xf32, #tpu.memory_space<vmem>>[vector<16xi32>], vector<16xf32>, vector<16xi1>
            %gather3A_226 = tpu.vector_load_idx %arg5[%get3A_219] : memref<125184xf32, #tpu.memory_space<vmem>>[vector<16xi32>], vector<16xf32>,
            %gt3A_227 = arith.cmpf ogt, %get3A_223, %gather3A_226 : vector<16xf32>
            %or3A_228 = arith.ori %or3A_211, %gt3A_227 : vector<16xi1>
            %mul3A_229 = arith.constant 8 : i32
            %mul3A_230 = arith.muli %scan3A_112, %mul3A_229 : i32
            %add3A_231 = arith.constant 7 : i32
            %add3A_232 = arith.addi %mul3A_230, %add3A_231 : i32
            %mul3A_233 = arith.constant 16 : i32
            %mul3A_234 = arith.muli %add3A_232, %mul3A_233 : i32
            %get3A_235 = arith.index_cast %mul3A_234 : i32 to index
            %get3A_236 = tpu.vector_load %arg6[%get3A_235] {strides = array<i32>} : memref<1024xi32, #tpu.memory_space<vmem>>, vector<16xi32>,
            %mul3A_237 = arith.constant 16 : i32
            %mul3A_238 = arith.muli %add3A_232, %mul3A_237 : i32
            %get3A_239 = arith.index_cast %mul3A_238 : i32 to index
            %get3A_240 = tpu.vector_load %arg8[%get3A_239] {strides = array<i32>} : memref<1024xf32, #tpu.memory_space<vmem>>, vector<16xf32>,
            %gather3A_241 = tpu.vector_load_idx %arg5[%get3A_236] : memref<125184xf32, #tpu.memory_space<vmem>>[vector<16xi32>], vector<16xf32>,
            %gt3A_242 = arith.cmpf ogt, %get3A_240, %gather3A_241 : vector<16xf32>
            tpu.vector_store_idx %arg5[%get3A_236], %get3A_240 masked %gt3A_242 : memref<125184xf32, #tpu.memory_space<vmem>>[vector<16xi32>], vector<16xf32>, vector<16xi1>
            %gather3A_243 = tpu.vector_load_idx %arg5[%get3A_236] : memref<125184xf32, #tpu.memory_space<vmem>>[vector<16xi32>], vector<16xf32>,
            %gt3A_244 = arith.cmpf ogt, %get3A_240, %gather3A_243 : vector<16xf32>
            %or3A_245 = arith.ori %or3A_228, %gt3A_244 : vector<16xi1>
            scf.yield %or3A_245 : vector<16xi1>
          }
          %scan3A_111 = arith.constant 8 : i32
          scf.yield %scan3A_110 : vector<16xi1>
        }
        %add3A_77 = arith.constant 2 : i32
        %add3A_78 = arith.addi %mul3A_52, %add3A_77 : i32
        %min3A = arith.constant 62 : i32
        %min3A_79 = arith.minsi %add3A_78, %min3A : i32
        %mul3A_80 = arith.constant 1024 : i32
        %mul3A_81 = arith.muli %min3A_79, %mul3A_80 : i32
        %dma_start3A_82 = tpu.memref_slice %arg3[%mul3A_81] : memref<65536xi32, #tpu.memory_space<hbm>> -> memref<1024xi32, #tpu.memory_space<hbm>>
        %dma_start3A_83 = tpu.memref_slice %arg3[%mul3A_81] : memref<65536xi32, #tpu.memory_space<hbm>> -> memref<1024xi32, #tpu.memory_space<hbm>>
        tpu.enqueue_dma source(%dma_start3A_83 : memref<1024xi32, #tpu.memory_space<hbm>>) target(%arg6 : memref<1024xi32, #tpu.memory_space<vmem>>) target_semaphore(%arg10 : memref<!tpu.dma_semaphore, #tpu.memory_space<semaphore_mem>>)
        %dma_start3A_84 = tpu.memref_slice %arg2[%add3A_10, %mul3A_81] : memref<256x65536xf32, #tpu.memory_space<hbm>> -> memref<1x1024xf32, #tpu.memory_space<hbm>>
        %dma_start3A_85 = tpu.memref_squeeze %dma_start3A_84 : memref<1x1024xf32, #tpu.memory_space<hbm>> -> memref<1024xf32, #tpu.memory_space<hbm>>
        %dma_start3A_86 = tpu.memref_slice %arg2[%add3A_10, %mul3A_81] : memref<256x65536xf32, #tpu.memory_space<hbm>> -> memref<1x1024xf32, #tpu.memory_space<hbm>>
        %dma_start3A_87 = tpu.memref_squeeze %dma_start3A_86 : memref<1x1024xf32, #tpu.memory_space<hbm>> -> memref<1024xf32, #tpu.memory_space<hbm>>
        tpu.enqueue_dma source(%dma_start3A_87 : memref<1024xf32, #tpu.memory_space<hbm>>) target(%arg8 : memref<1024xf32, #tpu.memory_space<vmem>>) target_semaphore(%arg10 : memref<!tpu.dma_semaphore, #tpu.memory_space<semaphore_mem>>)
        %add3A_88 = arith.constant 1 : i32
        %add3A_89 = arith.addi %mul3A_52, %add3A_88 : i32
        %mul3A_90 = arith.constant 1024 : i32
        %mul3A_91 = arith.muli %add3A_89, %mul3A_90 : i32
        %dma_wait3A_92 = tpu.memref_slice %arg3[%mul3A_91] : memref<65536xi32, #tpu.memory_space<hbm>> -> memref<1024xi32, #tpu.memory_space<hbm>>
        %dma_wait3A_93 = tpu.memref_slice %arg3[%mul3A_91] : memref<65536xi32, #tpu.memory_space<hbm>> -> memref<1024xi32, #tpu.memory_space<hbm>>
        tpu.wait_dma2 semaphore(%arg11 : memref<!tpu.dma_semaphore, #tpu.memory_space<semaphore_mem>>) src(%dma_wait3A_93 : memref<1024xi32, #tpu.memory_space<hbm>>) dst(%arg7 : memref<1024xi32, #tpu.memory_space<vmem>>)
        %dma_wait3A_94 = tpu.memref_slice %arg2[%add3A_10, %mul3A_91] : memref<256x65536xf32, #tpu.memory_space<hbm>> -> memref<1x1024xf32, #tpu.memory_space<hbm>>
        %dma_wait3A_95 = tpu.memref_squeeze %dma_wait3A_94 : memref<1x1024xf32, #tpu.memory_space<hbm>> -> memref<1024xf32, #tpu.memory_space<hbm>>
        %dma_wait3A_96 = tpu.memref_slice %arg2[%add3A_10, %mul3A_91] : memref<256x65536xf32, #tpu.memory_space<hbm>> -> memref<1x1024xf32, #tpu.memory_space<hbm>>
        %dma_wait3A_97 = tpu.memref_squeeze %dma_wait3A_96 : memref<1x1024xf32, #tpu.memory_space<hbm>> -> memref<1024xf32, #tpu.memory_space<hbm>>
        tpu.wait_dma2 semaphore(%arg11 : memref<!tpu.dma_semaphore, #tpu.memory_space<semaphore_mem>>) src(%dma_wait3A_97 : memref<1024xf32, #tpu.memory_space<hbm>>) dst(%arg9 : memref<1024xf32, #tpu.memory_space<vmem>>)
        %scan3A_98 = arith.constant 0 : i32
        %scan3A_99 = arith.constant 8 : i32
        %scan3A_100 = arith.addi %scan3A_98, %scan3A_99 : i32
        %scan3A_101 = arith.constant 1 : i32
        %scan3A_102 = scf.for %scan3A_105 = %scan3A_98 to %scan3A_100 step %scan3A_101 iter_args(%scan3A_106 = %broadcast_in_dim3A_3) -> (vector<16xi1>)  : i32 {
          %mul3A_107 = arith.constant 8 : i32
          %mul3A_108 = arith.muli %scan3A_105, %mul3A_107 : i32
          %add3A_109 = arith.constant 0 : i32
          %add3A_110 = arith.addi %mul3A_108, %add3A_109 : i32
          %mul3A_111 = arith.constant 16 : i32
          %mul3A_112 = arith.muli %add3A_110, %mul3A_111 : i32
          %get3A = arith.index_cast %mul3A_112 : i32 to index
          %get3A_113 = tpu.vector_load %arg7[%get3A] {strides = array<i32>} : memref<1024xi32, #tpu.memory_space<vmem>>, vector<16xi32>,
          %mul3A_114 = arith.constant 16 : i32
          %mul3A_115 = arith.muli %add3A_110, %mul3A_114 : i32
          %get3A_116 = arith.index_cast %mul3A_115 : i32 to index
          %get3A_117 = tpu.vector_load %arg9[%get3A_116] {strides = array<i32>} : memref<1024xf32, #tpu.memory_space<vmem>>, vector<16xf32>,
          %gather3A = tpu.vector_load_idx %arg5[%get3A_113] : memref<125184xf32, #tpu.memory_space<vmem>>[vector<16xi32>], vector<16xf32>,
          %gt3A = arith.cmpf ogt, %get3A_117, %gather3A : vector<16xf32>
          tpu.vector_store_idx %arg5[%get3A_113], %get3A_117 masked %gt3A : memref<125184xf32, #tpu.memory_space<vmem>>[vector<16xi32>], vector<16xf32>, vector<16xi1>
          %gather3A_118 = tpu.vector_load_idx %arg5[%get3A_113] : memref<125184xf32, #tpu.memory_space<vmem>>[vector<16xi32>], vector<16xf32>,
          %gt3A_119 = arith.cmpf ogt, %get3A_117, %gather3A_118 : vector<16xf32>
          %or3A = arith.ori %scan3A_106, %gt3A_119 : vector<16xi1>
          %mul3A_120 = arith.constant 8 : i32
          %mul3A_121 = arith.muli %scan3A_105, %mul3A_120 : i32
          %add3A_122 = arith.constant 1 : i32
          %add3A_123 = arith.addi %mul3A_121, %add3A_122 : i32
          %mul3A_124 = arith.constant 16 : i32
          %mul3A_125 = arith.muli %add3A_123, %mul3A_124 : i32
          %get3A_126 = arith.index_cast %mul3A_125 : i32 to index
          %get3A_127 = tpu.vector_load %arg7[%get3A_126] {strides = array<i32>} : memref<1024xi32, #tpu.memory_space<vmem>>, vector<16xi32>,
          %mul3A_128 = arith.constant 16 : i32
          %mul3A_129 = arith.muli %add3A_123, %mul3A_128 : i32
          %get3A_130 = arith.index_cast %mul3A_129 : i32 to index
          %get3A_131 = tpu.vector_load %arg9[%get3A_130] {strides = array<i32>} : memref<1024xf32, #tpu.memory_space<vmem>>, vector<16xf32>,
          %gather3A_132 = tpu.vector_load_idx %arg5[%get3A_127] : memref<125184xf32, #tpu.memory_space<vmem>>[vector<16xi32>], vector<16xf32>,
          %gt3A_133 = arith.cmpf ogt, %get3A_131, %gather3A_132 : vector<16xf32>
          tpu.vector_store_idx %arg5[%get3A_127], %get3A_131 masked %gt3A_133 : memref<125184xf32, #tpu.memory_space<vmem>>[vector<16xi32>], vector<16xf32>, vector<16xi1>
          %gather3A_134 = tpu.vector_load_idx %arg5[%get3A_127] : memref<125184xf32, #tpu.memory_space<vmem>>[vector<16xi32>], vector<16xf32>,
          %gt3A_135 = arith.cmpf ogt, %get3A_131, %gather3A_134 : vector<16xf32>
          %or3A_136 = arith.ori %or3A, %gt3A_135 : vector<16xi1>
          %mul3A_137 = arith.constant 8 : i32
          %mul3A_138 = arith.muli %scan3A_105, %mul3A_137 : i32
          %add3A_139 = arith.constant 2 : i32
          %add3A_140 = arith.addi %mul3A_138, %add3A_139 : i32
          %mul3A_141 = arith.constant 16 : i32
          %mul3A_142 = arith.muli %add3A_140, %mul3A_141 : i32
          %get3A_143 = arith.index_cast %mul3A_142 : i32 to index
          %get3A_144 = tpu.vector_load %arg7[%get3A_143] {strides = array<i32>} : memref<1024xi32, #tpu.memory_space<vmem>>, vector<16xi32>,
          %mul3A_145 = arith.constant 16 : i32
          %mul3A_146 = arith.muli %add3A_140, %mul3A_145 : i32
          %get3A_147 = arith.index_cast %mul3A_146 : i32 to index
          %get3A_148 = tpu.vector_load %arg9[%get3A_147] {strides = array<i32>} : memref<1024xf32, #tpu.memory_space<vmem>>, vector<16xf32>,
          %gather3A_149 = tpu.vector_load_idx %arg5[%get3A_144] : memref<125184xf32, #tpu.memory_space<vmem>>[vector<16xi32>], vector<16xf32>,
          %gt3A_150 = arith.cmpf ogt, %get3A_148, %gather3A_149 : vector<16xf32>
          tpu.vector_store_idx %arg5[%get3A_144], %get3A_148 masked %gt3A_150 : memref<125184xf32, #tpu.memory_space<vmem>>[vector<16xi32>], vector<16xf32>, vector<16xi1>
          %gather3A_151 = tpu.vector_load_idx %arg5[%get3A_144] : memref<125184xf32, #tpu.memory_space<vmem>>[vector<16xi32>], vector<16xf32>,
          %gt3A_152 = arith.cmpf ogt, %get3A_148, %gather3A_151 : vector<16xf32>
          %or3A_153 = arith.ori %or3A_136, %gt3A_152 : vector<16xi1>
          %mul3A_154 = arith.constant 8 : i32
          %mul3A_155 = arith.muli %scan3A_105, %mul3A_154 : i32
          %add3A_156 = arith.constant 3 : i32
          %add3A_157 = arith.addi %mul3A_155, %add3A_156 : i32
          %mul3A_158 = arith.constant 16 : i32
          %mul3A_159 = arith.muli %add3A_157, %mul3A_158 : i32
          %get3A_160 = arith.index_cast %mul3A_159 : i32 to index
          %get3A_161 = tpu.vector_load %arg7[%get3A_160] {strides = array<i32>} : memref<1024xi32, #tpu.memory_space<vmem>>, vector<16xi32>,
          %mul3A_162 = arith.constant 16 : i32
          %mul3A_163 = arith.muli %add3A_157, %mul3A_162 : i32
          %get3A_164 = arith.index_cast %mul3A_163 : i32 to index
          %get3A_165 = tpu.vector_load %arg9[%get3A_164] {strides = array<i32>} : memref<1024xf32, #tpu.memory_space<vmem>>, vector<16xf32>,
          %gather3A_166 = tpu.vector_load_idx %arg5[%get3A_161] : memref<125184xf32, #tpu.memory_space<vmem>>[vector<16xi32>], vector<16xf32>,
          %gt3A_167 = arith.cmpf ogt, %get3A_165, %gather3A_166 : vector<16xf32>
          tpu.vector_store_idx %arg5[%get3A_161], %get3A_165 masked %gt3A_167 : memref<125184xf32, #tpu.memory_space<vmem>>[vector<16xi32>], vector<16xf32>, vector<16xi1>
          %gather3A_168 = tpu.vector_load_idx %arg5[%get3A_161] : memref<125184xf32, #tpu.memory_space<vmem>>[vector<16xi32>], vector<16xf32>,
          %gt3A_169 = arith.cmpf ogt, %get3A_165, %gather3A_168 : vector<16xf32>
          %or3A_170 = arith.ori %or3A_153, %gt3A_169 : vector<16xi1>
          %mul3A_171 = arith.constant 8 : i32
          %mul3A_172 = arith.muli %scan3A_105, %mul3A_171 : i32
          %add3A_173 = arith.constant 4 : i32
          %add3A_174 = arith.addi %mul3A_172, %add3A_173 : i32
          %mul3A_175 = arith.constant 16 : i32
          %mul3A_176 = arith.muli %add3A_174, %mul3A_175 : i32
          %get3A_177 = arith.index_cast %mul3A_176 : i32 to index
          %get3A_178 = tpu.vector_load %arg7[%get3A_177] {strides = array<i32>} : memref<1024xi32, #tpu.memory_space<vmem>>, vector<16xi32>,
          %mul3A_179 = arith.constant 16 : i32
          %mul3A_180 = arith.muli %add3A_174, %mul3A_179 : i32
          %get3A_181 = arith.index_cast %mul3A_180 : i32 to index
          %get3A_182 = tpu.vector_load %arg9[%get3A_181] {strides = array<i32>} : memref<1024xf32, #tpu.memory_space<vmem>>, vector<16xf32>,
          %gather3A_183 = tpu.vector_load_idx %arg5[%get3A_178] : memref<125184xf32, #tpu.memory_space<vmem>>[vector<16xi32>], vector<16xf32>,
          %gt3A_184 = arith.cmpf ogt, %get3A_182, %gather3A_183 : vector<16xf32>
          tpu.vector_store_idx %arg5[%get3A_178], %get3A_182 masked %gt3A_184 : memref<125184xf32, #tpu.memory_space<vmem>>[vector<16xi32>], vector<16xf32>, vector<16xi1>
          %gather3A_185 = tpu.vector_load_idx %arg5[%get3A_178] : memref<125184xf32, #tpu.memory_space<vmem>>[vector<16xi32>], vector<16xf32>,
          %gt3A_186 = arith.cmpf ogt, %get3A_182, %gather3A_185 : vector<16xf32>
          %or3A_187 = arith.ori %or3A_170, %gt3A_186 : vector<16xi1>
          %mul3A_188 = arith.constant 8 : i32
          %mul3A_189 = arith.muli %scan3A_105, %mul3A_188 : i32
          %add3A_190 = arith.constant 5 : i32
          %add3A_191 = arith.addi %mul3A_189, %add3A_190 : i32
          %mul3A_192 = arith.constant 16 : i32
          %mul3A_193 = arith.muli %add3A_191, %mul3A_192 : i32
          %get3A_194 = arith.index_cast %mul3A_193 : i32 to index
          %get3A_195 = tpu.vector_load %arg7[%get3A_194] {strides = array<i32>} : memref<1024xi32, #tpu.memory_space<vmem>>, vector<16xi32>,
          %mul3A_196 = arith.constant 16 : i32
          %mul3A_197 = arith.muli %add3A_191, %mul3A_196 : i32
          %get3A_198 = arith.index_cast %mul3A_197 : i32 to index
          %get3A_199 = tpu.vector_load %arg9[%get3A_198] {strides = array<i32>} : memref<1024xf32, #tpu.memory_space<vmem>>, vector<16xf32>,
          %gather3A_200 = tpu.vector_load_idx %arg5[%get3A_195] : memref<125184xf32, #tpu.memory_space<vmem>>[vector<16xi32>], vector<16xf32>,
          %gt3A_201 = arith.cmpf ogt, %get3A_199, %gather3A_200 : vector<16xf32>
          tpu.vector_store_idx %arg5[%get3A_195], %get3A_199 masked %gt3A_201 : memref<125184xf32, #tpu.memory_space<vmem>>[vector<16xi32>], vector<16xf32>, vector<16xi1>
          %gather3A_202 = tpu.vector_load_idx %arg5[%get3A_195] : memref<125184xf32, #tpu.memory_space<vmem>>[vector<16xi32>], vector<16xf32>,
          %gt3A_203 = arith.cmpf ogt, %get3A_199, %gather3A_202 : vector<16xf32>
          %or3A_204 = arith.ori %or3A_187, %gt3A_203 : vector<16xi1>
          %mul3A_205 = arith.constant 8 : i32
          %mul3A_206 = arith.muli %scan3A_105, %mul3A_205 : i32
          %add3A_207 = arith.constant 6 : i32
          %add3A_208 = arith.addi %mul3A_206, %add3A_207 : i32
          %mul3A_209 = arith.constant 16 : i32
          %mul3A_210 = arith.muli %add3A_208, %mul3A_209 : i32
          %get3A_211 = arith.index_cast %mul3A_210 : i32 to index
          %get3A_212 = tpu.vector_load %arg7[%get3A_211] {strides = array<i32>} : memref<1024xi32, #tpu.memory_space<vmem>>, vector<16xi32>,
          %mul3A_213 = arith.constant 16 : i32
          %mul3A_214 = arith.muli %add3A_208, %mul3A_213 : i32
          %get3A_215 = arith.index_cast %mul3A_214 : i32 to index
          %get3A_216 = tpu.vector_load %arg9[%get3A_215] {strides = array<i32>} : memref<1024xf32, #tpu.memory_space<vmem>>, vector<16xf32>,
          %gather3A_217 = tpu.vector_load_idx %arg5[%get3A_212] : memref<125184xf32, #tpu.memory_space<vmem>>[vector<16xi32>], vector<16xf32>,
          %gt3A_218 = arith.cmpf ogt, %get3A_216, %gather3A_217 : vector<16xf32>
          tpu.vector_store_idx %arg5[%get3A_212], %get3A_216 masked %gt3A_218 : memref<125184xf32, #tpu.memory_space<vmem>>[vector<16xi32>], vector<16xf32>, vector<16xi1>
          %gather3A_219 = tpu.vector_load_idx %arg5[%get3A_212] : memref<125184xf32, #tpu.memory_space<vmem>>[vector<16xi32>], vector<16xf32>,
          %gt3A_220 = arith.cmpf ogt, %get3A_216, %gather3A_219 : vector<16xf32>
          %or3A_221 = arith.ori %or3A_204, %gt3A_220 : vector<16xi1>
          %mul3A_222 = arith.constant 8 : i32
          %mul3A_223 = arith.muli %scan3A_105, %mul3A_222 : i32
          %add3A_224 = arith.constant 7 : i32
          %add3A_225 = arith.addi %mul3A_223, %add3A_224 : i32
          %mul3A_226 = arith.constant 16 : i32
          %mul3A_227 = arith.muli %add3A_225, %mul3A_226 : i32
          %get3A_228 = arith.index_cast %mul3A_227 : i32 to index
          %get3A_229 = tpu.vector_load %arg7[%get3A_228] {strides = array<i32>} : memref<1024xi32, #tpu.memory_space<vmem>>, vector<16xi32>,
          %mul3A_230 = arith.constant 16 : i32
          %mul3A_231 = arith.muli %add3A_225, %mul3A_230 : i32
          %get3A_232 = arith.index_cast %mul3A_231 : i32 to index
          %get3A_233 = tpu.vector_load %arg9[%get3A_232] {strides = array<i32>} : memref<1024xf32, #tpu.memory_space<vmem>>, vector<16xf32>,
          %gather3A_234 = tpu.vector_load_idx %arg5[%get3A_229] : memref<125184xf32, #tpu.memory_space<vmem>>[vector<16xi32>], vector<16xf32>,
          %gt3A_235 = arith.cmpf ogt, %get3A_233, %gather3A_234 : vector<16xf32>
          tpu.vector_store_idx %arg5[%get3A_229], %get3A_233 masked %gt3A_235 : memref<125184xf32, #tpu.memory_space<vmem>>[vector<16xi32>], vector<16xf32>, vector<16xi1>
          %gather3A_236 = tpu.vector_load_idx %arg5[%get3A_229] : memref<125184xf32, #tpu.memory_space<vmem>>[vector<16xi32>], vector<16xf32>,
          %gt3A_237 = arith.cmpf ogt, %get3A_233, %gather3A_236 : vector<16xf32>
          %or3A_238 = arith.ori %or3A_221, %gt3A_237 : vector<16xi1>
          scf.yield %or3A_238 : vector<16xi1>
        }
        %scan3A_103 = arith.constant 8 : i32
        %while3A_104 = scf.while (%while3A_105 = %scan3A_102) : (vector<16xi1>) -> vector<16xi1> {
          %convert_element_type3A = arith.extui %while3A_105 : vector<16xi1> to vector<16xi32>
          %reduce_max3A = arith.constant true
          %reduce_max3A_106 = vector.broadcast %reduce_max3A : i1 to vector<16xi1>
          %reduce_max3A_107 = arith.constant -2147483648 : i32
          %reduce_max3A_108 = vector.broadcast %reduce_max3A_107 : i32 to vector<16xi32>
          %reduce_max3A_109 = arith.xori %convert_element_type3A, %reduce_max3A_108 : vector<16xi32>
          %reduce_max3A_110 = tpu.scan <max>, %reduce_max3A_109 masked %reduce_max3A_106 : vector<16xi32>, vector<16xi1> -> vector<16xi32>
          %reduce_max3A_111 = arith.xori %reduce_max3A_110, %reduce_max3A_108 : vector<16xi32>
          %reduce_max3A_112 = vector.extract %reduce_max3A_111[15] : i32 from vector<16xi32>
          %gt3A = arith.constant 0 : i32
          %gt3A_113 = arith.cmpi sgt, %reduce_max3A_112, %gt3A : i32
          scf.condition(%gt3A_113) %while3A_105 : vector<16xi1>
        } do {
        ^bb0(%while3A_105: vector<16xi1>):
          %scan3A_106 = arith.constant 0 : i32
          %scan3A_107 = arith.constant 8 : i32
          %scan3A_108 = arith.addi %scan3A_106, %scan3A_107 : i32
          %scan3A_109 = arith.constant 1 : i32
          %scan3A_110 = scf.for %scan3A_112 = %scan3A_106 to %scan3A_108 step %scan3A_109 iter_args(%scan3A_113 = %broadcast_in_dim3A_3) -> (vector<16xi1>)  : i32 {
            %mul3A_114 = arith.constant 8 : i32
            %mul3A_115 = arith.muli %scan3A_112, %mul3A_114 : i32
            %add3A_116 = arith.constant 0 : i32
            %add3A_117 = arith.addi %mul3A_115, %add3A_116 : i32
            %mul3A_118 = arith.constant 16 : i32
            %mul3A_119 = arith.muli %add3A_117, %mul3A_118 : i32
            %get3A = arith.index_cast %mul3A_119 : i32 to index
            %get3A_120 = tpu.vector_load %arg7[%get3A] {strides = array<i32>} : memref<1024xi32, #tpu.memory_space<vmem>>, vector<16xi32>,
            %mul3A_121 = arith.constant 16 : i32
            %mul3A_122 = arith.muli %add3A_117, %mul3A_121 : i32
            %get3A_123 = arith.index_cast %mul3A_122 : i32 to index
            %get3A_124 = tpu.vector_load %arg9[%get3A_123] {strides = array<i32>} : memref<1024xf32, #tpu.memory_space<vmem>>, vector<16xf32>,
            %gather3A = tpu.vector_load_idx %arg5[%get3A_120] : memref<125184xf32, #tpu.memory_space<vmem>>[vector<16xi32>], vector<16xf32>,
            %gt3A = arith.cmpf ogt, %get3A_124, %gather3A : vector<16xf32>
            tpu.vector_store_idx %arg5[%get3A_120], %get3A_124 masked %gt3A : memref<125184xf32, #tpu.memory_space<vmem>>[vector<16xi32>], vector<16xf32>, vector<16xi1>
            %gather3A_125 = tpu.vector_load_idx %arg5[%get3A_120] : memref<125184xf32, #tpu.memory_space<vmem>>[vector<16xi32>], vector<16xf32>,
            %gt3A_126 = arith.cmpf ogt, %get3A_124, %gather3A_125 : vector<16xf32>
            %or3A = arith.ori %scan3A_113, %gt3A_126 : vector<16xi1>
            %mul3A_127 = arith.constant 8 : i32
            %mul3A_128 = arith.muli %scan3A_112, %mul3A_127 : i32
            %add3A_129 = arith.constant 1 : i32
            %add3A_130 = arith.addi %mul3A_128, %add3A_129 : i32
            %mul3A_131 = arith.constant 16 : i32
            %mul3A_132 = arith.muli %add3A_130, %mul3A_131 : i32
            %get3A_133 = arith.index_cast %mul3A_132 : i32 to index
            %get3A_134 = tpu.vector_load %arg7[%get3A_133] {strides = array<i32>} : memref<1024xi32, #tpu.memory_space<vmem>>, vector<16xi32>,
            %mul3A_135 = arith.constant 16 : i32
            %mul3A_136 = arith.muli %add3A_130, %mul3A_135 : i32
            %get3A_137 = arith.index_cast %mul3A_136 : i32 to index
            %get3A_138 = tpu.vector_load %arg9[%get3A_137] {strides = array<i32>} : memref<1024xf32, #tpu.memory_space<vmem>>, vector<16xf32>,
            %gather3A_139 = tpu.vector_load_idx %arg5[%get3A_134] : memref<125184xf32, #tpu.memory_space<vmem>>[vector<16xi32>], vector<16xf32>,
            %gt3A_140 = arith.cmpf ogt, %get3A_138, %gather3A_139 : vector<16xf32>
            tpu.vector_store_idx %arg5[%get3A_134], %get3A_138 masked %gt3A_140 : memref<125184xf32, #tpu.memory_space<vmem>>[vector<16xi32>], vector<16xf32>, vector<16xi1>
            %gather3A_141 = tpu.vector_load_idx %arg5[%get3A_134] : memref<125184xf32, #tpu.memory_space<vmem>>[vector<16xi32>], vector<16xf32>,
            %gt3A_142 = arith.cmpf ogt, %get3A_138, %gather3A_141 : vector<16xf32>
            %or3A_143 = arith.ori %or3A, %gt3A_142 : vector<16xi1>
            %mul3A_144 = arith.constant 8 : i32
            %mul3A_145 = arith.muli %scan3A_112, %mul3A_144 : i32
            %add3A_146 = arith.constant 2 : i32
            %add3A_147 = arith.addi %mul3A_145, %add3A_146 : i32
            %mul3A_148 = arith.constant 16 : i32
            %mul3A_149 = arith.muli %add3A_147, %mul3A_148 : i32
            %get3A_150 = arith.index_cast %mul3A_149 : i32 to index
            %get3A_151 = tpu.vector_load %arg7[%get3A_150] {strides = array<i32>} : memref<1024xi32, #tpu.memory_space<vmem>>, vector<16xi32>,
            %mul3A_152 = arith.constant 16 : i32
            %mul3A_153 = arith.muli %add3A_147, %mul3A_152 : i32
            %get3A_154 = arith.index_cast %mul3A_153 : i32 to index
            %get3A_155 = tpu.vector_load %arg9[%get3A_154] {strides = array<i32>} : memref<1024xf32, #tpu.memory_space<vmem>>, vector<16xf32>,
            %gather3A_156 = tpu.vector_load_idx %arg5[%get3A_151] : memref<125184xf32, #tpu.memory_space<vmem>>[vector<16xi32>], vector<16xf32>,
            %gt3A_157 = arith.cmpf ogt, %get3A_155, %gather3A_156 : vector<16xf32>
            tpu.vector_store_idx %arg5[%get3A_151], %get3A_155 masked %gt3A_157 : memref<125184xf32, #tpu.memory_space<vmem>>[vector<16xi32>], vector<16xf32>, vector<16xi1>
            %gather3A_158 = tpu.vector_load_idx %arg5[%get3A_151] : memref<125184xf32, #tpu.memory_space<vmem>>[vector<16xi32>], vector<16xf32>,
            %gt3A_159 = arith.cmpf ogt, %get3A_155, %gather3A_158 : vector<16xf32>
            %or3A_160 = arith.ori %or3A_143, %gt3A_159 : vector<16xi1>
            %mul3A_161 = arith.constant 8 : i32
            %mul3A_162 = arith.muli %scan3A_112, %mul3A_161 : i32
            %add3A_163 = arith.constant 3 : i32
            %add3A_164 = arith.addi %mul3A_162, %add3A_163 : i32
            %mul3A_165 = arith.constant 16 : i32
            %mul3A_166 = arith.muli %add3A_164, %mul3A_165 : i32
            %get3A_167 = arith.index_cast %mul3A_166 : i32 to index
            %get3A_168 = tpu.vector_load %arg7[%get3A_167] {strides = array<i32>} : memref<1024xi32, #tpu.memory_space<vmem>>, vector<16xi32>,
            %mul3A_169 = arith.constant 16 : i32
            %mul3A_170 = arith.muli %add3A_164, %mul3A_169 : i32
            %get3A_171 = arith.index_cast %mul3A_170 : i32 to index
            %get3A_172 = tpu.vector_load %arg9[%get3A_171] {strides = array<i32>} : memref<1024xf32, #tpu.memory_space<vmem>>, vector<16xf32>,
            %gather3A_173 = tpu.vector_load_idx %arg5[%get3A_168] : memref<125184xf32, #tpu.memory_space<vmem>>[vector<16xi32>], vector<16xf32>,
            %gt3A_174 = arith.cmpf ogt, %get3A_172, %gather3A_173 : vector<16xf32>
            tpu.vector_store_idx %arg5[%get3A_168], %get3A_172 masked %gt3A_174 : memref<125184xf32, #tpu.memory_space<vmem>>[vector<16xi32>], vector<16xf32>, vector<16xi1>
            %gather3A_175 = tpu.vector_load_idx %arg5[%get3A_168] : memref<125184xf32, #tpu.memory_space<vmem>>[vector<16xi32>], vector<16xf32>,
            %gt3A_176 = arith.cmpf ogt, %get3A_172, %gather3A_175 : vector<16xf32>
            %or3A_177 = arith.ori %or3A_160, %gt3A_176 : vector<16xi1>
            %mul3A_178 = arith.constant 8 : i32
            %mul3A_179 = arith.muli %scan3A_112, %mul3A_178 : i32
            %add3A_180 = arith.constant 4 : i32
            %add3A_181 = arith.addi %mul3A_179, %add3A_180 : i32
            %mul3A_182 = arith.constant 16 : i32
            %mul3A_183 = arith.muli %add3A_181, %mul3A_182 : i32
            %get3A_184 = arith.index_cast %mul3A_183 : i32 to index
            %get3A_185 = tpu.vector_load %arg7[%get3A_184] {strides = array<i32>} : memref<1024xi32, #tpu.memory_space<vmem>>, vector<16xi32>,
            %mul3A_186 = arith.constant 16 : i32
            %mul3A_187 = arith.muli %add3A_181, %mul3A_186 : i32
            %get3A_188 = arith.index_cast %mul3A_187 : i32 to index
            %get3A_189 = tpu.vector_load %arg9[%get3A_188] {strides = array<i32>} : memref<1024xf32, #tpu.memory_space<vmem>>, vector<16xf32>,
            %gather3A_190 = tpu.vector_load_idx %arg5[%get3A_185] : memref<125184xf32, #tpu.memory_space<vmem>>[vector<16xi32>], vector<16xf32>,
            %gt3A_191 = arith.cmpf ogt, %get3A_189, %gather3A_190 : vector<16xf32>
            tpu.vector_store_idx %arg5[%get3A_185], %get3A_189 masked %gt3A_191 : memref<125184xf32, #tpu.memory_space<vmem>>[vector<16xi32>], vector<16xf32>, vector<16xi1>
            %gather3A_192 = tpu.vector_load_idx %arg5[%get3A_185] : memref<125184xf32, #tpu.memory_space<vmem>>[vector<16xi32>], vector<16xf32>,
            %gt3A_193 = arith.cmpf ogt, %get3A_189, %gather3A_192 : vector<16xf32>
            %or3A_194 = arith.ori %or3A_177, %gt3A_193 : vector<16xi1>
            %mul3A_195 = arith.constant 8 : i32
            %mul3A_196 = arith.muli %scan3A_112, %mul3A_195 : i32
            %add3A_197 = arith.constant 5 : i32
            %add3A_198 = arith.addi %mul3A_196, %add3A_197 : i32
            %mul3A_199 = arith.constant 16 : i32
            %mul3A_200 = arith.muli %add3A_198, %mul3A_199 : i32
            %get3A_201 = arith.index_cast %mul3A_200 : i32 to index
            %get3A_202 = tpu.vector_load %arg7[%get3A_201] {strides = array<i32>} : memref<1024xi32, #tpu.memory_space<vmem>>, vector<16xi32>,
            %mul3A_203 = arith.constant 16 : i32
            %mul3A_204 = arith.muli %add3A_198, %mul3A_203 : i32
            %get3A_205 = arith.index_cast %mul3A_204 : i32 to index
            %get3A_206 = tpu.vector_load %arg9[%get3A_205] {strides = array<i32>} : memref<1024xf32, #tpu.memory_space<vmem>>, vector<16xf32>,
            %gather3A_207 = tpu.vector_load_idx %arg5[%get3A_202] : memref<125184xf32, #tpu.memory_space<vmem>>[vector<16xi32>], vector<16xf32>,
            %gt3A_208 = arith.cmpf ogt, %get3A_206, %gather3A_207 : vector<16xf32>
            tpu.vector_store_idx %arg5[%get3A_202], %get3A_206 masked %gt3A_208 : memref<125184xf32, #tpu.memory_space<vmem>>[vector<16xi32>], vector<16xf32>, vector<16xi1>
            %gather3A_209 = tpu.vector_load_idx %arg5[%get3A_202] : memref<125184xf32, #tpu.memory_space<vmem>>[vector<16xi32>], vector<16xf32>,
            %gt3A_210 = arith.cmpf ogt, %get3A_206, %gather3A_209 : vector<16xf32>
            %or3A_211 = arith.ori %or3A_194, %gt3A_210 : vector<16xi1>
            %mul3A_212 = arith.constant 8 : i32
            %mul3A_213 = arith.muli %scan3A_112, %mul3A_212 : i32
            %add3A_214 = arith.constant 6 : i32
            %add3A_215 = arith.addi %mul3A_213, %add3A_214 : i32
            %mul3A_216 = arith.constant 16 : i32
            %mul3A_217 = arith.muli %add3A_215, %mul3A_216 : i32
            %get3A_218 = arith.index_cast %mul3A_217 : i32 to index
            %get3A_219 = tpu.vector_load %arg7[%get3A_218] {strides = array<i32>} : memref<1024xi32, #tpu.memory_space<vmem>>, vector<16xi32>,
            %mul3A_220 = arith.constant 16 : i32
            %mul3A_221 = arith.muli %add3A_215, %mul3A_220 : i32
            %get3A_222 = arith.index_cast %mul3A_221 : i32 to index
            %get3A_223 = tpu.vector_load %arg9[%get3A_222] {strides = array<i32>} : memref<1024xf32, #tpu.memory_space<vmem>>, vector<16xf32>,
            %gather3A_224 = tpu.vector_load_idx %arg5[%get3A_219] : memref<125184xf32, #tpu.memory_space<vmem>>[vector<16xi32>], vector<16xf32>,
            %gt3A_225 = arith.cmpf ogt, %get3A_223, %gather3A_224 : vector<16xf32>
            tpu.vector_store_idx %arg5[%get3A_219], %get3A_223 masked %gt3A_225 : memref<125184xf32, #tpu.memory_space<vmem>>[vector<16xi32>], vector<16xf32>, vector<16xi1>
            %gather3A_226 = tpu.vector_load_idx %arg5[%get3A_219] : memref<125184xf32, #tpu.memory_space<vmem>>[vector<16xi32>], vector<16xf32>,
            %gt3A_227 = arith.cmpf ogt, %get3A_223, %gather3A_226 : vector<16xf32>
            %or3A_228 = arith.ori %or3A_211, %gt3A_227 : vector<16xi1>
            %mul3A_229 = arith.constant 8 : i32
            %mul3A_230 = arith.muli %scan3A_112, %mul3A_229 : i32
            %add3A_231 = arith.constant 7 : i32
            %add3A_232 = arith.addi %mul3A_230, %add3A_231 : i32
            %mul3A_233 = arith.constant 16 : i32
            %mul3A_234 = arith.muli %add3A_232, %mul3A_233 : i32
            %get3A_235 = arith.index_cast %mul3A_234 : i32 to index
            %get3A_236 = tpu.vector_load %arg7[%get3A_235] {strides = array<i32>} : memref<1024xi32, #tpu.memory_space<vmem>>, vector<16xi32>,
            %mul3A_237 = arith.constant 16 : i32
            %mul3A_238 = arith.muli %add3A_232, %mul3A_237 : i32
            %get3A_239 = arith.index_cast %mul3A_238 : i32 to index
            %get3A_240 = tpu.vector_load %arg9[%get3A_239] {strides = array<i32>} : memref<1024xf32, #tpu.memory_space<vmem>>, vector<16xf32>,
            %gather3A_241 = tpu.vector_load_idx %arg5[%get3A_236] : memref<125184xf32, #tpu.memory_space<vmem>>[vector<16xi32>], vector<16xf32>,
            %gt3A_242 = arith.cmpf ogt, %get3A_240, %gather3A_241 : vector<16xf32>
            tpu.vector_store_idx %arg5[%get3A_236], %get3A_240 masked %gt3A_242 : memref<125184xf32, #tpu.memory_space<vmem>>[vector<16xi32>], vector<16xf32>, vector<16xi1>
            %gather3A_243 = tpu.vector_load_idx %arg5[%get3A_236] : memref<125184xf32, #tpu.memory_space<vmem>>[vector<16xi32>], vector<16xf32>,
            %gt3A_244 = arith.cmpf ogt, %get3A_240, %gather3A_243 : vector<16xf32>
            %or3A_245 = arith.ori %or3A_228, %gt3A_244 : vector<16xi1>
            scf.yield %or3A_245 : vector<16xi1>
          }
          %scan3A_111 = arith.constant 8 : i32
          scf.yield %scan3A_110 : vector<16xi1>
        }
      }
      %scan3A_33 = arith.constant 32 : i32
      %dma_wait3A = arith.constant 0 : i32
      %dma_wait3A_34 = tpu.memref_slice %arg3[%dma_wait3A] : memref<65536xi32, #tpu.memory_space<hbm>> -> memref<1024xi32, #tpu.memory_space<hbm>>
      %dma_wait3A_35 = arith.constant 0 : i32
      %dma_wait3A_36 = tpu.memref_slice %arg3[%dma_wait3A_35] : memref<65536xi32, #tpu.memory_space<hbm>> -> memref<1024xi32, #tpu.memory_space<hbm>>
      tpu.wait_dma2 semaphore(%arg10 : memref<!tpu.dma_semaphore, #tpu.memory_space<semaphore_mem>>) src(%dma_wait3A_36 : memref<1024xi32, #tpu.memory_space<hbm>>) dst(%arg6 : memref<1024xi32, #tpu.memory_space<vmem>>)
      %dma_wait3A_37 = arith.constant 0 : i32
      %dma_wait3A_38 = tpu.memref_slice %arg2[%add3A_10, %dma_wait3A_37] : memref<256x65536xf32, #tpu.memory_space<hbm>> -> memref<1x1024xf32, #tpu.memory_space<hbm>>
      %dma_wait3A_39 = tpu.memref_squeeze %dma_wait3A_38 : memref<1x1024xf32, #tpu.memory_space<hbm>> -> memref<1024xf32, #tpu.memory_space<hbm>>
      %dma_wait3A_40 = arith.constant 0 : i32
      %dma_wait3A_41 = tpu.memref_slice %arg2[%add3A_10, %dma_wait3A_40] : memref<256x65536xf32, #tpu.memory_space<hbm>> -> memref<1x1024xf32, #tpu.memory_space<hbm>>
      %dma_wait3A_42 = tpu.memref_squeeze %dma_wait3A_41 : memref<1x1024xf32, #tpu.memory_space<hbm>> -> memref<1024xf32, #tpu.memory_space<hbm>>
      tpu.wait_dma2 semaphore(%arg10 : memref<!tpu.dma_semaphore, #tpu.memory_space<semaphore_mem>>) src(%dma_wait3A_42 : memref<1024xf32, #tpu.memory_space<hbm>>) dst(%arg8 : memref<1024xf32, #tpu.memory_space<vmem>>)
      %mul3A_43 = arith.constant 62592 : i32
      %mul3A_44 = arith.muli %add3A_10, %mul3A_43 : i32
      %multiple_of3A = tpu.assume_multiple %mul3A_44, 128 : i32
      %add3A_45 = arith.constant 256 : i32
      %add3A_46 = arith.addi %add3A_45, %add3A_10 : i32
      %mul3A_47 = arith.constant 62592 : i32
      %mul3A_48 = arith.muli %add3A_46, %mul3A_47 : i32
      %multiple_of3A_49 = tpu.assume_multiple %mul3A_48, 128 : i32
      "tpu.region"() ({
        %run_scoped3A = tpu.sem_alloc : memref<!tpu.dma_semaphore, #tpu.memory_space<semaphore_mem>>
        %dma_start3A_50 = arith.constant 0 : i32
        %dma_start3A_51 = tpu.memref_slice %arg5[%dma_start3A_50] : memref<125184xf32, #tpu.memory_space<vmem>> -> memref<62592xf32, #tpu.memory_space<vmem>>
        %dma_start3A_52 = tpu.memref_slice %arg4[%multiple_of3A] : memref<32047104xf32, #tpu.memory_space<hbm>> -> memref<62592xf32, #tpu.memory_space<hbm>>
        %dma_start3A_53 = tpu.memref_slice %arg4[%multiple_of3A] : memref<32047104xf32, #tpu.memory_space<hbm>> -> memref<62592xf32, #tpu.memory_space<hbm>>
        %dma_start3A_54 = arith.constant 0 : i32
        %dma_start3A_55 = tpu.memref_slice %arg5[%dma_start3A_54] : memref<125184xf32, #tpu.memory_space<vmem>> -> memref<62592xf32, #tpu.memory_space<vmem>>
        tpu.enqueue_dma source(%dma_start3A_55 : memref<62592xf32, #tpu.memory_space<vmem>>) target(%dma_start3A_53 : memref<62592xf32, #tpu.memory_space<hbm>>) target_semaphore(%run_scoped3A : memref<!tpu.dma_semaphore, #tpu.memory_space<semaphore_mem>>)
        %dma_wait3A_56 = arith.constant 0 : i32
        %dma_wait3A_57 = tpu.memref_slice %arg5[%dma_wait3A_56] : memref<125184xf32, #tpu.memory_space<vmem>> -> memref<62592xf32, #tpu.memory_space<vmem>>
        %dma_wait3A_58 = tpu.memref_slice %arg4[%multiple_of3A] : memref<32047104xf32, #tpu.memory_space<hbm>> -> memref<62592xf32, #tpu.memory_space<hbm>>
        %dma_wait3A_59 = tpu.memref_slice %arg4[%multiple_of3A] : memref<32047104xf32, #tpu.memory_space<hbm>> -> memref<62592xf32, #tpu.memory_space<hbm>>
        %dma_wait3A_60 = arith.constant 0 : i32
        %dma_wait3A_61 = tpu.memref_slice %arg5[%dma_wait3A_60] : memref<125184xf32, #tpu.memory_space<vmem>> -> memref<62592xf32, #tpu.memory_space<vmem>>
        tpu.wait_dma2 semaphore(%run_scoped3A : memref<!tpu.dma_semaphore, #tpu.memory_space<semaphore_mem>>) src(%dma_wait3A_61 : memref<62592xf32, #tpu.memory_space<vmem>>) dst(%dma_wait3A_59 : memref<62592xf32, #tpu.memory_space<hbm>>)
        tpu.yield
      }) : () -> ()
      "tpu.region"() ({
        %run_scoped3A = tpu.sem_alloc : memref<!tpu.dma_semaphore, #tpu.memory_space<semaphore_mem>>
        %dma_start3A_50 = arith.constant 62592 : i32
        %dma_start3A_51 = tpu.memref_slice %arg5[%dma_start3A_50] : memref<125184xf32, #tpu.memory_space<vmem>> -> memref<62592xf32, #tpu.memory_space<vmem>>
        %dma_start3A_52 = tpu.memref_slice %arg4[%multiple_of3A_49] : memref<32047104xf32, #tpu.memory_space<hbm>> -> memref<62592xf32, #tpu.memory_space<hbm>>
        %dma_start3A_53 = tpu.memref_slice %arg4[%multiple_of3A_49] : memref<32047104xf32, #tpu.memory_space<hbm>> -> memref<62592xf32, #tpu.memory_space<hbm>>
        %dma_start3A_54 = arith.constant 62592 : i32
        %dma_start3A_55 = tpu.memref_slice %arg5[%dma_start3A_54] : memref<125184xf32, #tpu.memory_space<vmem>> -> memref<62592xf32, #tpu.memory_space<vmem>>
        tpu.enqueue_dma source(%dma_start3A_55 : memref<62592xf32, #tpu.memory_space<vmem>>) target(%dma_start3A_53 : memref<62592xf32, #tpu.memory_space<hbm>>) target_semaphore(%run_scoped3A : memref<!tpu.dma_semaphore, #tpu.memory_space<semaphore_mem>>)
        %dma_wait3A_56 = arith.constant 62592 : i32
        %dma_wait3A_57 = tpu.memref_slice %arg5[%dma_wait3A_56] : memref<125184xf32, #tpu.memory_space<vmem>> -> memref<62592xf32, #tpu.memory_space<vmem>>
        %dma_wait3A_58 = tpu.memref_slice %arg4[%multiple_of3A_49] : memref<32047104xf32, #tpu.memory_space<hbm>> -> memref<62592xf32, #tpu.memory_space<hbm>>
        %dma_wait3A_59 = tpu.memref_slice %arg4[%multiple_of3A_49] : memref<32047104xf32, #tpu.memory_space<hbm>> -> memref<62592xf32, #tpu.memory_space<hbm>>
        %dma_wait3A_60 = arith.constant 62592 : i32
        %dma_wait3A_61 = tpu.memref_slice %arg5[%dma_wait3A_60] : memref<125184xf32, #tpu.memory_space<vmem>> -> memref<62592xf32, #tpu.memory_space<vmem>>
        tpu.wait_dma2 semaphore(%run_scoped3A : memref<!tpu.dma_semaphore, #tpu.memory_space<semaphore_mem>>) src(%dma_wait3A_61 : memref<62592xf32, #tpu.memory_space<vmem>>) dst(%dma_wait3A_59 : memref<62592xf32, #tpu.memory_space<hbm>>)
        tpu.yield
      }) : () -> ()
    }
    %scan3A_8 = arith.constant 8 : i32
    return
  }
}

module attributes {stable_mosaic.version = 14 : i64} {
  func.func @_layer_kernel(%arg0: i32, %arg1: memref<4096x8xf32, #tpu.memory_space<vmem>>, %arg2: memref<8x64xf32, #tpu.memory_space<vmem>>, %arg3: memref<1x64xf32, #tpu.memory_space<vmem>>, %arg4: memref<4096x64xf32, #tpu.memory_space<vmem>>, %arg5: memref<1x64xf32, #tpu.memory_space<vmem>>, %arg6: memref<1x64xf32, #tpu.memory_space<vmem>>, %arg7: memref<1x64xf32, #tpu.memory_space<vmem>>) attributes {dimension_semantics = [#tpu.dimension_semantics<arbitrary>], iteration_bounds = array<i64: 16>, scalar_prefetch = 0 : i64, scratch_operands = 0 : i64, tpu.core_type = #tpu.core_type<tc>, window_params = [{transform_indices = @transform_0, window_bounds = array<i64: 4096, 8>}, {pipeline_mode = #tpu.pipeline_mode<synchronous>, transform_indices = @transform_1, window_bounds = array<i64: 8, 64>}, {pipeline_mode = #tpu.pipeline_mode<synchronous>, transform_indices = @transform_2, window_bounds = array<i64: 1, 64>}, {transform_indices = @transform_3, window_bounds = array<i64: 4096, 64>}, {pipeline_mode = #tpu.pipeline_mode<synchronous>, transform_indices = @transform_4, window_bounds = array<i64: 1, 64>}, {pipeline_mode = #tpu.pipeline_mode<synchronous>, transform_indices = @transform_5, window_bounds = array<i64: 1, 64>}, {pipeline_mode = #tpu.pipeline_mode<synchronous>, transform_indices = @transform_6, window_bounds = array<i64: 1, 64>}]} {
    %get3A = arith.constant 0 : index
    %get3A_0 = arith.constant 0 : index
    %get3A_1 = vector.load %arg1[%get3A, %get3A_0] : memref<4096x8xf32, #tpu.memory_space<vmem>>, vector<4096x8xf32>
    %get3A_2 = arith.constant 0 : index
    %get3A_3 = arith.constant 0 : index
    %get3A_4 = vector.load %arg2[%get3A_2, %get3A_3] : memref<8x64xf32, #tpu.memory_space<vmem>>, vector<8x64xf32>
    %dot_general3A = arith.constant dense<0.000000e+00> : vector<4096x64xf32>
    %dot_general3A_5 = tpu.matmul %get3A_1, %get3A_4, %dot_general3A {dimension_numbers = #tpu.dot_dimension_numbers<[1], [0], [0], [1], [0, 0, 1, 1], [], []>, transpose_lhs_hint = false} : vector<4096x8xf32>, vector<8x64xf32>, vector<4096x64xf32> -> vector<4096x64xf32>
    %get3A_6 = arith.constant 0 : index
    %get3A_7 = arith.constant 0 : index
    %get3A_8 = vector.load %arg3[%get3A_6, %get3A_7] : memref<1x64xf32, #tpu.memory_space<vmem>>, vector<1x64xf32>
    %add3A = vector.broadcast %get3A_8 : vector<1x64xf32> to vector<4096x64xf32>
    %add3A_9 = arith.addf %dot_general3A_5, %add3A : vector<4096x64xf32>
    %swap3A = arith.constant 0 : index
    %swap3A_10 = arith.constant 0 : index
    %swap3A_11 = vector.load %arg4[%swap3A, %swap3A_10] : memref<4096x64xf32, #tpu.memory_space<vmem>>, vector<4096x64xf32>
    tpu.vector_store %arg4[%swap3A, %swap3A_10], %add3A_9 {strides = array<i32>} : memref<4096x64xf32, #tpu.memory_space<vmem>>, vector<4096x64xf32>,
    %eq3A = arith.constant 0 : i32
    %eq3A_12 = arith.cmpi eq, %arg0, %eq3A : i32
    %convert_element_type3A = arith.extui %eq3A_12 : i1 to i32
    %cond3A = arith.constant 0 : i32
    %cond3A_13 = arith.cmpi ne, %convert_element_type3A, %cond3A : i32
    scf.if %cond3A_13 {
      %reduce_sum3A_36 = arith.constant dense<0.000000e+00> : vector<64xf32>
      %reduce_sum3A_37 = vector.multi_reduction <add>, %add3A_9, %reduce_sum3A_36 [0] : vector<4096x64xf32> to vector<64xf32>
      %broadcast_in_dim3A_38 = vector.shape_cast %reduce_sum3A_37 : vector<64xf32> to vector<1x64xf32>
      %div3A = arith.constant 4.096000e+03 : f32
      %div3A_39 = vector.broadcast %div3A : f32 to vector<1x64xf32>
      %div3A_40 = arith.divf %broadcast_in_dim3A_38, %div3A_39 : vector<1x64xf32>
      %swap3A_41 = arith.constant 0 : index
      %swap3A_42 = arith.constant 0 : index
      %swap3A_43 = vector.load %arg5[%swap3A_41, %swap3A_42] : memref<1x64xf32, #tpu.memory_space<vmem>>, vector<1x64xf32>
      tpu.vector_store %arg5[%swap3A_41, %swap3A_42], %div3A_40 {strides = array<i32>} : memref<1x64xf32, #tpu.memory_space<vmem>>, vector<1x64xf32>,
      %broadcast_in_dim3A_44 = arith.constant 0.000000e+00 : f32
      %broadcast_in_dim3A_45 = vector.broadcast %broadcast_in_dim3A_44 : f32 to vector<1x64xf32>
      %swap3A_46 = arith.constant 0 : index
      %swap3A_47 = arith.constant 0 : index
      %swap3A_48 = vector.load %arg6[%swap3A_46, %swap3A_47] : memref<1x64xf32, #tpu.memory_space<vmem>>, vector<1x64xf32>
      tpu.vector_store %arg6[%swap3A_46, %swap3A_47], %broadcast_in_dim3A_45 {strides = array<i32>} : memref<1x64xf32, #tpu.memory_space<vmem>>, vector<1x64xf32>,
      %broadcast_in_dim3A_49 = arith.constant 0.000000e+00 : f32
      %broadcast_in_dim3A_50 = vector.broadcast %broadcast_in_dim3A_49 : f32 to vector<1x64xf32>
      %swap3A_51 = arith.constant 0 : index
      %swap3A_52 = arith.constant 0 : index
      %swap3A_53 = vector.load %arg7[%swap3A_51, %swap3A_52] : memref<1x64xf32, #tpu.memory_space<vmem>>, vector<1x64xf32>
      tpu.vector_store %arg7[%swap3A_51, %swap3A_52], %broadcast_in_dim3A_50 {strides = array<i32>} : memref<1x64xf32, #tpu.memory_space<vmem>>, vector<1x64xf32>,
    } else {
    }
    %get3A_14 = arith.constant 0 : index
    %get3A_15 = arith.constant 0 : index
    %get3A_16 = vector.load %arg5[%get3A_14, %get3A_15] : memref<1x64xf32, #tpu.memory_space<vmem>>, vector<1x64xf32>
    %sub3A = vector.broadcast %get3A_16 : vector<1x64xf32> to vector<4096x64xf32>
    %sub3A_17 = arith.subf %add3A_9, %sub3A : vector<4096x64xf32>
    %get3A_18 = arith.constant 0 : index
    %get3A_19 = arith.constant 0 : index
    %get3A_20 = vector.load %arg6[%get3A_18, %get3A_19] : memref<1x64xf32, #tpu.memory_space<vmem>>, vector<1x64xf32>
    %reduce_sum3A = arith.constant dense<0.000000e+00> : vector<64xf32>
    %reduce_sum3A_21 = vector.multi_reduction <add>, %sub3A_17, %reduce_sum3A [0] : vector<4096x64xf32> to vector<64xf32>
    %broadcast_in_dim3A = vector.shape_cast %reduce_sum3A_21 : vector<64xf32> to vector<1x64xf32>
    %add3A_22 = arith.addf %get3A_20, %broadcast_in_dim3A : vector<1x64xf32>
    %swap3A_23 = arith.constant 0 : index
    %swap3A_24 = arith.constant 0 : index
    %swap3A_25 = vector.load %arg6[%swap3A_23, %swap3A_24] : memref<1x64xf32, #tpu.memory_space<vmem>>, vector<1x64xf32>
    tpu.vector_store %arg6[%swap3A_23, %swap3A_24], %add3A_22 {strides = array<i32>} : memref<1x64xf32, #tpu.memory_space<vmem>>, vector<1x64xf32>,
    %get3A_26 = arith.constant 0 : index
    %get3A_27 = arith.constant 0 : index
    %get3A_28 = vector.load %arg7[%get3A_26, %get3A_27] : memref<1x64xf32, #tpu.memory_space<vmem>>, vector<1x64xf32>
    %mul3A = arith.mulf %sub3A_17, %sub3A_17 : vector<4096x64xf32>
    %reduce_sum3A_29 = arith.constant dense<0.000000e+00> : vector<64xf32>
    %reduce_sum3A_30 = vector.multi_reduction <add>, %mul3A, %reduce_sum3A_29 [0] : vector<4096x64xf32> to vector<64xf32>
    %broadcast_in_dim3A_31 = vector.shape_cast %reduce_sum3A_30 : vector<64xf32> to vector<1x64xf32>
    %add3A_32 = arith.addf %get3A_28, %broadcast_in_dim3A_31 : vector<1x64xf32>
    %swap3A_33 = arith.constant 0 : index
    %swap3A_34 = arith.constant 0 : index
    %swap3A_35 = vector.load %arg7[%swap3A_33, %swap3A_34] : memref<1x64xf32, #tpu.memory_space<vmem>>, vector<1x64xf32>
    tpu.vector_store %arg7[%swap3A_33, %swap3A_34], %add3A_32 {strides = array<i32>} : memref<1x64xf32, #tpu.memory_space<vmem>>, vector<1x64xf32>,
    return
  }
  func.func @transform_0(%arg0: i32) -> (i32, i32) {
    %c0_i32 = arith.constant 0 : i32
    %c0_i32_0 = arith.constant 0 : i32
    return %arg0, %c0_i32 : i32, i32
  }
  func.func @transform_1(%arg0: i32) -> (i32, i32) {
    %c0_i32 = arith.constant 0 : i32
    %c0_i32_0 = arith.constant 0 : i32
    %c0_i32_1 = arith.constant 0 : i32
    return %c0_i32, %c0_i32_0 : i32, i32
  }
  func.func @transform_2(%arg0: i32) -> (i32, i32) {
    %c0_i32 = arith.constant 0 : i32
    %c0_i32_0 = arith.constant 0 : i32
    %c0_i32_1 = arith.constant 0 : i32
    return %c0_i32, %c0_i32_0 : i32, i32
  }
  func.func @transform_3(%arg0: i32) -> (i32, i32) {
    %c0_i32 = arith.constant 0 : i32
    %c0_i32_0 = arith.constant 0 : i32
    return %arg0, %c0_i32 : i32, i32
  }
  func.func @transform_4(%arg0: i32) -> (i32, i32) {
    %c0_i32 = arith.constant 0 : i32
    %c0_i32_0 = arith.constant 0 : i32
    %c0_i32_1 = arith.constant 0 : i32
    return %c0_i32, %c0_i32_0 : i32, i32
  }
  func.func @transform_5(%arg0: i32) -> (i32, i32) {
    %c0_i32 = arith.constant 0 : i32
    %c0_i32_0 = arith.constant 0 : i32
    %c0_i32_1 = arith.constant 0 : i32
    return %c0_i32, %c0_i32_0 : i32, i32
  }
  func.func @transform_6(%arg0: i32) -> (i32, i32) {
    %c0_i32 = arith.constant 0 : i32
    %c0_i32_0 = arith.constant 0 : i32
    %c0_i32_1 = arith.constant 0 : i32
    return %c0_i32, %c0_i32_0 : i32, i32
  }
}

module attributes {stable_mosaic.version = 14 : i64} {
  func.func @_layer_act_kernel(%arg0: i32, %arg1: memref<4096x64xf32, #tpu.memory_space<vmem>>, %arg2: memref<1x64xf32, #tpu.memory_space<vmem>>, %arg3: memref<1x64xf32, #tpu.memory_space<vmem>>, %arg4: memref<64x128xf32, #tpu.memory_space<vmem>>, %arg5: memref<1x128xf32, #tpu.memory_space<vmem>>, %arg6: memref<4096x128xf32, #tpu.memory_space<vmem>>, %arg7: memref<1x128xf32, #tpu.memory_space<vmem>>, %arg8: memref<1x128xf32, #tpu.memory_space<vmem>>, %arg9: memref<1x128xf32, #tpu.memory_space<vmem>>) attributes {dimension_semantics = [#tpu.dimension_semantics<arbitrary>], iteration_bounds = array<i64: 16>, scalar_prefetch = 0 : i64, scratch_operands = 0 : i64, tpu.core_type = #tpu.core_type<tc>, window_params = [{transform_indices = @transform_0, window_bounds = array<i64: 4096, 64>}, {pipeline_mode = #tpu.pipeline_mode<synchronous>, transform_indices = @transform_1, window_bounds = array<i64: 1, 64>}, {pipeline_mode = #tpu.pipeline_mode<synchronous>, transform_indices = @transform_2, window_bounds = array<i64: 1, 64>}, {pipeline_mode = #tpu.pipeline_mode<synchronous>, transform_indices = @transform_3, window_bounds = array<i64: 64, 128>}, {pipeline_mode = #tpu.pipeline_mode<synchronous>, transform_indices = @transform_4, window_bounds = array<i64: 1, 128>}, {transform_indices = @transform_5, window_bounds = array<i64: 4096, 128>}, {pipeline_mode = #tpu.pipeline_mode<synchronous>, transform_indices = @transform_6, window_bounds = array<i64: 1, 128>}, {pipeline_mode = #tpu.pipeline_mode<synchronous>, transform_indices = @transform_7, window_bounds = array<i64: 1, 128>}, {pipeline_mode = #tpu.pipeline_mode<synchronous>, transform_indices = @transform_8, window_bounds = array<i64: 1, 128>}]} {
    %get3A = arith.constant 0 : index
    %get3A_0 = arith.constant 0 : index
    %get3A_1 = vector.load %arg1[%get3A, %get3A_0] : memref<4096x64xf32, #tpu.memory_space<vmem>>, vector<4096x64xf32>
    %get3A_2 = arith.constant 0 : index
    %get3A_3 = arith.constant 0 : index
    %get3A_4 = vector.load %arg2[%get3A_2, %get3A_3] : memref<1x64xf32, #tpu.memory_space<vmem>>, vector<1x64xf32>
    %mul3A = vector.broadcast %get3A_4 : vector<1x64xf32> to vector<4096x64xf32>
    %mul3A_5 = arith.mulf %get3A_1, %mul3A : vector<4096x64xf32>
    %get3A_6 = arith.constant 0 : index
    %get3A_7 = arith.constant 0 : index
    %get3A_8 = vector.load %arg3[%get3A_6, %get3A_7] : memref<1x64xf32, #tpu.memory_space<vmem>>, vector<1x64xf32>
    %add3A = vector.broadcast %get3A_8 : vector<1x64xf32> to vector<4096x64xf32>
    %add3A_9 = arith.addf %mul3A_5, %add3A : vector<4096x64xf32>
    %max3A = arith.constant 0.000000e+00 : f32
    %max3A_10 = vector.broadcast %max3A : f32 to vector<4096x64xf32>
    %max3A_11 = arith.maximumf %add3A_9, %max3A_10 : vector<4096x64xf32>
    %get3A_12 = arith.constant 0 : index
    %get3A_13 = arith.constant 0 : index
    %get3A_14 = vector.load %arg4[%get3A_12, %get3A_13] : memref<64x128xf32, #tpu.memory_space<vmem>>, vector<64x128xf32>
    %dot_general3A = arith.constant dense<0.000000e+00> : vector<4096x128xf32>
    %dot_general3A_15 = tpu.matmul %max3A_11, %get3A_14, %dot_general3A {dimension_numbers = #tpu.dot_dimension_numbers<[1], [0], [0], [1], [0, 0, 1, 1], [], []>, transpose_lhs_hint = false} : vector<4096x64xf32>, vector<64x128xf32>, vector<4096x128xf32> -> vector<4096x128xf32>
    %get3A_16 = arith.constant 0 : index
    %get3A_17 = arith.constant 0 : index
    %get3A_18 = vector.load %arg5[%get3A_16, %get3A_17] : memref<1x128xf32, #tpu.memory_space<vmem>>, vector<1x128xf32>
    %add3A_19 = vector.broadcast %get3A_18 : vector<1x128xf32> to vector<4096x128xf32>
    %add3A_20 = arith.addf %dot_general3A_15, %add3A_19 : vector<4096x128xf32>
    %swap3A = arith.constant 0 : index
    %swap3A_21 = arith.constant 0 : index
    %swap3A_22 = vector.load %arg6[%swap3A, %swap3A_21] : memref<4096x128xf32, #tpu.memory_space<vmem>>, vector<4096x128xf32>
    tpu.vector_store %arg6[%swap3A, %swap3A_21], %add3A_20 {strides = array<i32>} : memref<4096x128xf32, #tpu.memory_space<vmem>>, vector<4096x128xf32>,
    %eq3A = arith.constant 0 : i32
    %eq3A_23 = arith.cmpi eq, %arg0, %eq3A : i32
    %convert_element_type3A = arith.extui %eq3A_23 : i1 to i32
    %cond3A = arith.constant 0 : i32
    %cond3A_24 = arith.cmpi ne, %convert_element_type3A, %cond3A : i32
    scf.if %cond3A_24 {
      %reduce_sum3A_48 = arith.constant dense<0.000000e+00> : vector<128xf32>
      %reduce_sum3A_49 = vector.multi_reduction <add>, %add3A_20, %reduce_sum3A_48 [0] : vector<4096x128xf32> to vector<128xf32>
      %broadcast_in_dim3A_50 = vector.shape_cast %reduce_sum3A_49 : vector<128xf32> to vector<1x128xf32>
      %div3A = arith.constant 4.096000e+03 : f32
      %div3A_51 = vector.broadcast %div3A : f32 to vector<1x128xf32>
      %div3A_52 = arith.divf %broadcast_in_dim3A_50, %div3A_51 : vector<1x128xf32>
      %swap3A_53 = arith.constant 0 : index
      %swap3A_54 = arith.constant 0 : index
      %swap3A_55 = vector.load %arg7[%swap3A_53, %swap3A_54] : memref<1x128xf32, #tpu.memory_space<vmem>>, vector<1x128xf32>
      tpu.vector_store %arg7[%swap3A_53, %swap3A_54], %div3A_52 {strides = array<i32>} : memref<1x128xf32, #tpu.memory_space<vmem>>, vector<1x128xf32>,
      %broadcast_in_dim3A_56 = arith.constant 0.000000e+00 : f32
      %broadcast_in_dim3A_57 = vector.broadcast %broadcast_in_dim3A_56 : f32 to vector<1x128xf32>
      %swap3A_58 = arith.constant 0 : index
      %swap3A_59 = arith.constant 0 : index
      %swap3A_60 = vector.load %arg8[%swap3A_58, %swap3A_59] : memref<1x128xf32, #tpu.memory_space<vmem>>, vector<1x128xf32>
      tpu.vector_store %arg8[%swap3A_58, %swap3A_59], %broadcast_in_dim3A_57 {strides = array<i32>} : memref<1x128xf32, #tpu.memory_space<vmem>>, vector<1x128xf32>,
      %broadcast_in_dim3A_61 = arith.constant 0.000000e+00 : f32
      %broadcast_in_dim3A_62 = vector.broadcast %broadcast_in_dim3A_61 : f32 to vector<1x128xf32>
      %swap3A_63 = arith.constant 0 : index
      %swap3A_64 = arith.constant 0 : index
      %swap3A_65 = vector.load %arg9[%swap3A_63, %swap3A_64] : memref<1x128xf32, #tpu.memory_space<vmem>>, vector<1x128xf32>
      tpu.vector_store %arg9[%swap3A_63, %swap3A_64], %broadcast_in_dim3A_62 {strides = array<i32>} : memref<1x128xf32, #tpu.memory_space<vmem>>, vector<1x128xf32>,
    } else {
    }
    %get3A_25 = arith.constant 0 : index
    %get3A_26 = arith.constant 0 : index
    %get3A_27 = vector.load %arg7[%get3A_25, %get3A_26] : memref<1x128xf32, #tpu.memory_space<vmem>>, vector<1x128xf32>
    %sub3A = vector.broadcast %get3A_27 : vector<1x128xf32> to vector<4096x128xf32>
    %sub3A_28 = arith.subf %add3A_20, %sub3A : vector<4096x128xf32>
    %get3A_29 = arith.constant 0 : index
    %get3A_30 = arith.constant 0 : index
    %get3A_31 = vector.load %arg8[%get3A_29, %get3A_30] : memref<1x128xf32, #tpu.memory_space<vmem>>, vector<1x128xf32>
    %reduce_sum3A = arith.constant dense<0.000000e+00> : vector<128xf32>
    %reduce_sum3A_32 = vector.multi_reduction <add>, %sub3A_28, %reduce_sum3A [0] : vector<4096x128xf32> to vector<128xf32>
    %broadcast_in_dim3A = vector.shape_cast %reduce_sum3A_32 : vector<128xf32> to vector<1x128xf32>
    %add3A_33 = arith.addf %get3A_31, %broadcast_in_dim3A : vector<1x128xf32>
    %swap3A_34 = arith.constant 0 : index
    %swap3A_35 = arith.constant 0 : index
    %swap3A_36 = vector.load %arg8[%swap3A_34, %swap3A_35] : memref<1x128xf32, #tpu.memory_space<vmem>>, vector<1x128xf32>
    tpu.vector_store %arg8[%swap3A_34, %swap3A_35], %add3A_33 {strides = array<i32>} : memref<1x128xf32, #tpu.memory_space<vmem>>, vector<1x128xf32>,
    %get3A_37 = arith.constant 0 : index
    %get3A_38 = arith.constant 0 : index
    %get3A_39 = vector.load %arg9[%get3A_37, %get3A_38] : memref<1x128xf32, #tpu.memory_space<vmem>>, vector<1x128xf32>
    %mul3A_40 = arith.mulf %sub3A_28, %sub3A_28 : vector<4096x128xf32>
    %reduce_sum3A_41 = arith.constant dense<0.000000e+00> : vector<128xf32>
    %reduce_sum3A_42 = vector.multi_reduction <add>, %mul3A_40, %reduce_sum3A_41 [0] : vector<4096x128xf32> to vector<128xf32>
    %broadcast_in_dim3A_43 = vector.shape_cast %reduce_sum3A_42 : vector<128xf32> to vector<1x128xf32>
    %add3A_44 = arith.addf %get3A_39, %broadcast_in_dim3A_43 : vector<1x128xf32>
    %swap3A_45 = arith.constant 0 : index
    %swap3A_46 = arith.constant 0 : index
    %swap3A_47 = vector.load %arg9[%swap3A_45, %swap3A_46] : memref<1x128xf32, #tpu.memory_space<vmem>>, vector<1x128xf32>
    tpu.vector_store %arg9[%swap3A_45, %swap3A_46], %add3A_44 {strides = array<i32>} : memref<1x128xf32, #tpu.memory_space<vmem>>, vector<1x128xf32>,
    return
  }
  func.func @transform_0(%arg0: i32) -> (i32, i32) {
    %c0_i32 = arith.constant 0 : i32
    %c0_i32_0 = arith.constant 0 : i32
    return %arg0, %c0_i32 : i32, i32
  }
  func.func @transform_1(%arg0: i32) -> (i32, i32) {
    %c0_i32 = arith.constant 0 : i32
    %c0_i32_0 = arith.constant 0 : i32
    %c0_i32_1 = arith.constant 0 : i32
    return %c0_i32, %c0_i32_0 : i32, i32
  }
  func.func @transform_2(%arg0: i32) -> (i32, i32) {
    %c0_i32 = arith.constant 0 : i32
    %c0_i32_0 = arith.constant 0 : i32
    %c0_i32_1 = arith.constant 0 : i32
    return %c0_i32, %c0_i32_0 : i32, i32
  }
  func.func @transform_3(%arg0: i32) -> (i32, i32) {
    %c0_i32 = arith.constant 0 : i32
    %c0_i32_0 = arith.constant 0 : i32
    %c0_i32_1 = arith.constant 0 : i32
    return %c0_i32, %c0_i32_0 : i32, i32
  }
  func.func @transform_4(%arg0: i32) -> (i32, i32) {
    %c0_i32 = arith.constant 0 : i32
    %c0_i32_0 = arith.constant 0 : i32
    %c0_i32_1 = arith.constant 0 : i32
    return %c0_i32, %c0_i32_0 : i32, i32
  }
  func.func @transform_5(%arg0: i32) -> (i32, i32) {
    %c0_i32 = arith.constant 0 : i32
    %c0_i32_0 = arith.constant 0 : i32
    return %arg0, %c0_i32 : i32, i32
  }
  func.func @transform_6(%arg0: i32) -> (i32, i32) {
    %c0_i32 = arith.constant 0 : i32
    %c0_i32_0 = arith.constant 0 : i32
    %c0_i32_1 = arith.constant 0 : i32
    return %c0_i32, %c0_i32_0 : i32, i32
  }
  func.func @transform_7(%arg0: i32) -> (i32, i32) {
    %c0_i32 = arith.constant 0 : i32
    %c0_i32_0 = arith.constant 0 : i32
    %c0_i32_1 = arith.constant 0 : i32
    return %c0_i32, %c0_i32_0 : i32, i32
  }
  func.func @transform_8(%arg0: i32) -> (i32, i32) {
    %c0_i32 = arith.constant 0 : i32
    %c0_i32_0 = arith.constant 0 : i32
    %c0_i32_1 = arith.constant 0 : i32
    return %c0_i32, %c0_i32_0 : i32, i32
  }
}

module attributes {stable_mosaic.version = 14 : i64} {
  func.func @_final_kernel(%arg0: i32, %arg1: memref<4096x128xf32, #tpu.memory_space<vmem>>, %arg2: memref<1x128xf32, #tpu.memory_space<vmem>>, %arg3: memref<1x128xf32, #tpu.memory_space<vmem>>, %arg4: memref<256x128xf32, #tpu.memory_space<vmem>>, %arg5: memref<256x1xf32, #tpu.memory_space<vmem>>, %arg6: memref<256x4096xf32, #tpu.memory_space<vmem>>) attributes {dimension_semantics = [#tpu.dimension_semantics<arbitrary>], iteration_bounds = array<i64: 16>, scalar_prefetch = 0 : i64, scratch_operands = 0 : i64, tpu.core_type = #tpu.core_type<tc>, window_params = [{transform_indices = @transform_0, window_bounds = array<i64: 4096, 128>}, {pipeline_mode = #tpu.pipeline_mode<synchronous>, transform_indices = @transform_1, window_bounds = array<i64: 1, 128>}, {pipeline_mode = #tpu.pipeline_mode<synchronous>, transform_indices = @transform_2, window_bounds = array<i64: 1, 128>}, {pipeline_mode = #tpu.pipeline_mode<synchronous>, transform_indices = @transform_3, window_bounds = array<i64: 256, 128>}, {pipeline_mode = #tpu.pipeline_mode<synchronous>, transform_indices = @transform_4, window_bounds = array<i64: 256, 1>}, {transform_indices = @transform_5, window_bounds = array<i64: 256, 4096>}]} {
    %get3A = arith.constant 0 : index
    %get3A_0 = arith.constant 0 : index
    %get3A_1 = vector.load %arg1[%get3A, %get3A_0] : memref<4096x128xf32, #tpu.memory_space<vmem>>, vector<4096x128xf32>
    %get3A_2 = arith.constant 0 : index
    %get3A_3 = arith.constant 0 : index
    %get3A_4 = vector.load %arg2[%get3A_2, %get3A_3] : memref<1x128xf32, #tpu.memory_space<vmem>>, vector<1x128xf32>
    %mul3A = vector.broadcast %get3A_4 : vector<1x128xf32> to vector<4096x128xf32>
    %mul3A_5 = arith.mulf %get3A_1, %mul3A : vector<4096x128xf32>
    %get3A_6 = arith.constant 0 : index
    %get3A_7 = arith.constant 0 : index
    %get3A_8 = vector.load %arg3[%get3A_6, %get3A_7] : memref<1x128xf32, #tpu.memory_space<vmem>>, vector<1x128xf32>
    %add3A = vector.broadcast %get3A_8 : vector<1x128xf32> to vector<4096x128xf32>
    %add3A_9 = arith.addf %mul3A_5, %add3A : vector<4096x128xf32>
    %max3A = arith.constant 0.000000e+00 : f32
    %max3A_10 = vector.broadcast %max3A : f32 to vector<4096x128xf32>
    %max3A_11 = arith.maximumf %add3A_9, %max3A_10 : vector<4096x128xf32>
    %get3A_12 = arith.constant 0 : index
    %get3A_13 = arith.constant 0 : index
    %get3A_14 = vector.load %arg4[%get3A_12, %get3A_13] : memref<256x128xf32, #tpu.memory_space<vmem>>, vector<256x128xf32>
    %dot_general3A = arith.constant dense<0.000000e+00> : vector<256x4096xf32>
    %dot_general3A_15 = tpu.matmul %get3A_14, %max3A_11, %dot_general3A {dimension_numbers = #tpu.dot_dimension_numbers<[1], [1], [0], [0], [0, 0, 1, 0], [], []>, transpose_lhs_hint = false} : vector<256x128xf32>, vector<4096x128xf32>, vector<256x4096xf32> -> vector<256x4096xf32>
    %get3A_16 = arith.constant 0 : index
    %get3A_17 = arith.constant 0 : index
    %get3A_18 = vector.load %arg5[%get3A_16, %get3A_17] : memref<256x1xf32, #tpu.memory_space<vmem>>, vector<256x1xf32>
    %add3A_19 = vector.broadcast %get3A_18 : vector<256x1xf32> to vector<256x4096xf32>
    %add3A_20 = arith.addf %dot_general3A_15, %add3A_19 : vector<256x4096xf32>
    %swap3A = arith.constant 0 : index
    %swap3A_21 = arith.constant 0 : index
    %swap3A_22 = vector.load %arg6[%swap3A, %swap3A_21] : memref<256x4096xf32, #tpu.memory_space<vmem>>, vector<256x4096xf32>
    tpu.vector_store %arg6[%swap3A, %swap3A_21], %add3A_20 {strides = array<i32>} : memref<256x4096xf32, #tpu.memory_space<vmem>>, vector<256x4096xf32>,
    return
  }
  func.func @transform_0(%arg0: i32) -> (i32, i32) {
    %c0_i32 = arith.constant 0 : i32
    %c0_i32_0 = arith.constant 0 : i32
    return %arg0, %c0_i32 : i32, i32
  }
  func.func @transform_1(%arg0: i32) -> (i32, i32) {
    %c0_i32 = arith.constant 0 : i32
    %c0_i32_0 = arith.constant 0 : i32
    %c0_i32_1 = arith.constant 0 : i32
    return %c0_i32, %c0_i32_0 : i32, i32
  }
  func.func @transform_2(%arg0: i32) -> (i32, i32) {
    %c0_i32 = arith.constant 0 : i32
    %c0_i32_0 = arith.constant 0 : i32
    %c0_i32_1 = arith.constant 0 : i32
    return %c0_i32, %c0_i32_0 : i32, i32
  }
  func.func @transform_3(%arg0: i32) -> (i32, i32) {
    %c0_i32 = arith.constant 0 : i32
    %c0_i32_0 = arith.constant 0 : i32
    %c0_i32_1 = arith.constant 0 : i32
    return %c0_i32, %c0_i32_0 : i32, i32
  }
  func.func @transform_4(%arg0: i32) -> (i32, i32) {
    %c0_i32 = arith.constant 0 : i32
    %c0_i32_0 = arith.constant 0 : i32
    %c0_i32_1 = arith.constant 0 : i32
    return %c0_i32, %c0_i32_0 : i32, i32
  }
  func.func @transform_5(%arg0: i32) -> (i32, i32) {
    %c0_i32 = arith.constant 0 : i32
    %c0_i32_0 = arith.constant 0 : i32
    return %c0_i32, %arg0 : i32, i32
  }
}

</mosaic_0001>

<sc_bundles>
// kernel: kernel.6.cloned.1.call-start
scs
__scs_entry_jumppad:
0x0: {  	(pc) =	sbr.rel $0x88, $3  }
0x1: {  	(tag) =	ssettag $0x0;
	lr =	simm.s32 $0x1  }
0x2: {  	[smem:$0x3F95] =	sst lr;
	_ =	strace $0xD0000000  }
0x3: {  	_ = 	snop  }
0x4: {  	_ = 	snop  }
0x5: {  	_ = 	snop  }
0x6: {  	_ = 	snop  }
0x7: {  	_ = 	snop  }
__scs_overlays_trampoline_lowered:
0x8: {  	[smem:$0x3FA4] =	sst s0  }
0x9: {  	[smem:$0x3FA5] =	sst s1  }
0xa: {  	[smem:$0x3FA6] =	sst s2  }
0xb: {  	[smem:$0x3FA7] =	sst s3  }
0xc: {  	[smem:$0x3FA8] =	sst s4  }
0xd: {  	[smem:$0x3FA9] =	sst s5  }
0xe: {  	[smem:$0x3FAA] =	sst s6  }
0xf: {  	[smem:$0x3FAB] =	sst s7  }
0x10: {  	[smem:$0x3FAC] =	sst s8  }
0x11: {  	[smem:$0x3FAD] =	sst s9;
	s0 =	simm.s32 @!p0 $0x0  }
0x12: {  	s1 =	sld [smem:$0x3F93];
	s0 =	simm.s32 @p0 $0x1  }
0x13: {  	[smem:$0x3FAE] =	sst s0;
	s0 =	simm.s32 @!p1 $0x0  }
0x14: {  	s2 =	sld [smem:$0x3F92];
	s0 =	simm.s32 @p1 $0x1  }
0x15: {  	[smem:$0x3FAF] =	sst s0;
	s0 =	simm.s32 @!p2 $0x0  }
0x16: {  	s3 =	sld [smem:$0x3FDB];
	s0 =	simm.s32 @p2 $0x1  }
0x17: {  	s4 =	simm.s32 $0x1BF5;
	[smem:$0x3FB1] =	sst s0  }
0x18: {  	s0 =	sld [smem:$0x3F94];
	_ =	swait.ge [sflag:s4], $0x0  }
0x19: {  	s7 =	sld [smem:$0x3F95]  }
0x1a: {  	s8 =	sadd.s32 $0xFFFFE003, lr  }
0x1b: {  	s9 =	sadd.s32 $0xFFFFFEF7, lr;
	s5 =	simm.s32 $0xFFFFFFFF;
	p2 =	slt.u32 s8, $0xFFFFF086  }
0x1c: {  	p1 =	slt.u32 s9, $0xF7A;
	s5 =	simm.s32 @!p2 $0x0  }
0x1d: {  	s5 =	simm.s32 @p1 $0x1;
	p0 =	seq.s32 s7, s2  }
0x1e: {  	s7 =	smul.u32 @!p0 $0xF7A, s2;
	p2 =	seq.s32 @!p0 s5, $0x0  }
0x1f: {  	s9 =	smul.u32 $0xF7A, s1;
	s8 =	simm.s32 @!p0 $0x1BF5;
	p2 =	por !p2, p0  }
0x20: {  	[sflag:s8] =	ssyncset.s32 @!p0 $0xFFFFF086;
	s6 =	sadd.s32 @!p0 s3, s7;
	s7 =	simm.s32 @!p0 $0x108  }
0x21: {  	s3 =	sadd.s32 s3, s9;
	s6 =	sadd.s32 @!p0 $0x88, s6;
	s7 =	simm.s32 @p2 $0x1082  }
0x22: {  	[simem:s7], [sflag:s8] =	dma.local @!p0 [hbm:s6], $0xF7A  }
0x23: {  	s9 =	sor.u32 $0xD0000000, s2;
	s6 =	simm.s32 $0x108;
	_ =	swait.ge @!p0 [sflag:s8], $0x0  }
0x24: {  	s3 =	sadd.s32 $0x88, s3;
	s6 =	simm.s32 @!p1 $0x1082;
	[sflag:s4] =	ssyncset.s32 $0xFFFFF086  }
0x25: {  	[simem:s6], [sflag:s4] =	dma.local [hbm:s3], $0xF7A  }
0x26: {  	[smem:$0x3F95] =	sst s1;
	(tag) =	ssettag s2;
	_ =	strace s9  }
0x27: {  	s1 =	sld [smem:$0x3FA5]  }
0x28: {  	s2 =	sld [smem:$0x3FA6]  }
0x29: {  	s4 =	sld [smem:$0x3FA8]  }
0x2a: {  	p0 =	seq.s32 s5, $0x0;
	s5 =	sld [smem:$0x3FA9]  }
0x2b: {  	s6 =	sld [smem:$0x3FAA]  }
0x2c: {  	s7 =	sld [smem:$0x3FAB]  }
0x2d: {  	s3 =	simm.s32 $0x108;
	s8 =	sld [smem:$0x3FAC]  }
0x2e: {  	s3 =	simm.s32 @!p0 $0x1082;
	s9 =	sld [smem:$0x3FAD]  }
0x2f: {  	lr =	sadd.s32 s0, s3;
	s0 =	sld [smem:$0x3FA4]  }
0x30: {  	s3 =	sld [smem:$0x3FA7]  }
0x31: {  	[smem:$0x3FB0] =	sst s10  }
0x32: {  	s10 =	sld [smem:$0x3FAE];
	_ =	sdelay $0x3  }
0x33: {  	p0 =	seq.s32 s10, $0x1;
	s10 =	sld [smem:$0x3FB0];
	_ =	sdelay $0x3  }
0x34: {  	[smem:$0x3FB0] =	sst s10  }
0x35: {  	s10 =	sld [smem:$0x3FAF];
	_ =	sdelay $0x3  }
0x36: {  	p1 =	seq.s32 s10, $0x1;
	s10 =	sld [smem:$0x3FB0];
	_ =	sdelay $0x3  }
0x37: {  	[smem:$0x3FB0] =	sst s10  }
0x38: {  	s10 =	sld [smem:$0x3FB1]  }
0x39: {  	_ = 	snop;
	(pc) =	sbr.ind lr, $3  }
0x3a: {  	_ = 	snop  }
0x3b: {  	_ = 	snop  }
0x3c: {  	p2 =	seq.s32 s10, $0x1;
	s10 =	sld [smem:$0x3FB0]  }
0x3d: {  	_ =	shalt  }
0x3e: {  	_ =	shalt  }
0x3f: {  	_ =	shalt  }
0x40: {  	_ =	shalt  }
0x41: {  	_ =	shalt  }
0x42: {  	_ =	shalt  }
0x43: {  	_ =	shalt  }
0x44: {  	_ =	shalt  }
0x45: {  	_ =	shalt  }
0x46: {  	_ =	shalt  }
0x47: {  	_ =	shalt  }
0x48: {  	_ =	shalt  }
0x49: {  	_ =	shalt  }
0x4a: {  	_ =	shalt  }
0x4b: {  	_ =	shalt  }
0x4c: {  	_ =	shalt  }
0x4d: {  	_ =	shalt  }
0x4e: {  	_ =	shalt  }
0x4f: {  	_ =	shalt  }
0x50: {  	_ =	shalt  }
0x51: {  	_ =	shalt  }
0x52: {  	_ =	shalt  }
0x53: {  	_ =	shalt  }
0x54: {  	_ =	shalt  }
0x55: {  	_ =	shalt  }
0x56: {  	_ =	shalt  }
0x57: {  	_ =	shalt  }
0x58: {  	_ =	shalt  }
0x59: {  	_ =	shalt  }
0x5a: {  	_ =	shalt  }
0x5b: {  	_ =	shalt  }
0x5c: {  	_ =	shalt  }
0x5d: {  	_ =	shalt  }
0x5e: {  	_ =	shalt  }
0x5f: {  	_ =	shalt  }
0x60: {  	_ =	shalt  }
0x61: {  	_ =	shalt  }
0x62: {  	_ =	shalt  }
0x63: {  	_ =	shalt  }
0x64: {  	_ =	shalt  }
0x65: {  	_ =	shalt  }
0x66: {  	_ =	shalt  }
0x67: {  	_ =	shalt  }
0x68: {  	_ =	shalt  }
0x69: {  	_ =	shalt  }
0x6a: {  	_ =	shalt  }
0x6b: {  	_ =	shalt  }
0x6c: {  	_ =	shalt  }
0x6d: {  	_ =	shalt  }
0x6e: {  	_ =	shalt  }
0x6f: {  	_ =	shalt  }
0x70: {  	_ =	shalt  }
0x71: {  	_ =	shalt  }
0x72: {  	_ =	shalt  }
0x73: {  	_ =	shalt  }
0x74: {  	_ =	shalt  }
0x75: {  	_ =	shalt  }
0x76: {  	_ =	shalt  }
0x77: {  	_ =	shalt  }
0x78: {  	_ =	shalt  }
0x79: {  	_ =	shalt  }
0x7a: {  	_ =	shalt  }
0x7b: {  	_ =	shalt  }
0x7c: {  	_ =	shalt  }
0x7d: {  	_ =	shalt  }
0x7e: {  	_ =	shalt  }
0x7f: {  	_ =	shalt  }
0x80: {  	_ =	shalt  }
0x81: {  	_ =	shalt  }
0x82: {  	_ =	shalt  }
0x83: {  	_ =	shalt  }
0x84: {  	_ =	shalt  }
0x85: {  	_ =	shalt  }
0x86: {  	_ =	shalt  }
0x87: {  	_ =	shalt  }
.Lfunc_end0:
.L_simem_size_0:
called_computation.1_lowered:
.L_overlay_start_0:
0x88: {  	s2 =	sld [smem:$0x3FD9]  }
0x89: {  	s3 =	sld [smem:$0x3FFE];
	_ =	sdelay $0x1  }
0x8a: {  	s1 =	srdreg.scid  }
0x8b: {  	s0 =	sand.u32 $0x1, s1  }
0x8c: {  	s17 =	sshll.u32 s0, $0xA;
	s2 =	sadd.s32 s3, s2  }
0x8d: {  	s2 =	sadd.s32 s2, s17  }
0x8e: {  	[smem:$0x3FBC] =	sst s2  }
0x8f: {  	_ = 	snop  }
0x90: {  	s2 =	sld [smem:$0x3FD0];
	(tm) =	ssettm $0x1  }
0x91: {  	s18 =	sld [smem:$0x3FFB];
	_ =	sdelay $0x3  }
0x92: {  	_ =	strace s18  }
0x93: {  	s3 =	sld [smem:$0x3FFC];
	_ =	sdelay $0x3  }
0x94: {  	_ =	strace s3  }
0x95: {  	s3 =	sld [smem:$0x3FFD];
	_ =	sdelay $0x3  }
0x96: {  	_ =	strace s3  }
0x97: {  	_ =	strace $0x8FFFFFFF  }
0x98: {  	s19 =	sld [smem:$0x3FDB];
	_ =	sdelay $0x1  }
0x99: {  	s4 =	simm.s32 $_scs_section_size  }
0x9a: {  	s5 =	simm.s32 $_size__tile_overlayer_lowered;
	s6 =	simm.s32 $_tile_overlayer_lowered  }
0x9b: {  	s22 =	simm.s32 $0x1BFF;
	s21 =	sshll.u32 s6, $0x1;
	s3 =	sadd.s32 s4, s19  }
0x9c: {  	s7 =	simm.s32 $0x0;
	s20 =	sshll.u32 s5, $0x1;
	s5 =	sadd.s32 s21, s3  }
0x9d: {  	[timem:s7], [sflag:s22] =	dma.local [hbm:s5], s20  }
0x9e: {  	_ =	swait.ge [sflag:s22], s20  }
0x9f: {  	s4 =	ssub.s32 $0x0, s20;
	[sflag:s22] =	ssyncset.done $0x0  }
0xa0: {  	[sflag:s22] =	ssyncadd.s32 s4;
	_ =	sdelay $0x1  }
0xa1: {  	s23 =	simm.s32 $0x1B8B  }
0xa2: {  	_ =	swait.ge [sflag:s23], $0x1  }
0xa3: {  	[sflag:s23] =	ssyncset.done $0x0  }
0xa4: {  	s25 =	simm.s32 $0x1B8E;
	s24 =	sld [smem:$0x3FFE];
	[sflag:s23] =	ssyncadd.s32 $0xFFFFFFFF  }
0xa5: {  	s26 =	simm.s32 $execute0_lowered;
	[smem:$0x3FD2] =	sst s25  }
0xa6: {  	s5 =	sshll.u32 s26, $0x1;
	_ =	strace $0x80000046;
	[dreg:$0x1] =	wrdreg $0xFFFFFFFF  }
0xa7: {  	s28 =	simm.s32 $_size_execute0_lowered;
	s3 =	sadd.s32 s3, s5;
	[dreg:$0x0] =	wrdreg $0x0  }
0xa8: {  	s5 =	sshll.u32 s28, $0x1;
	[dreg:$0x2] =	wrdreg s3  }
0xa9: {  	[dreg:$0x3] =	wrdreg s5  }
0xaa: {  	[dreg:$0x4] =	wrdreg $0xC0  }
0xab: {  	_ =	task [dreg:s7], $0x5FFFF  }
0xac: {  	[dreg:$0x1] =	wrdreg $0xFFFFFFFF  }
0xad: {  	[dreg:$0x0] =	wrdreg $0x60  }
0xae: {  	[dreg:$0x2] =	wrdreg s2  }
0xaf: {  	[dreg:$0x3] =	wrdreg s24  }
0xb0: {  	[dreg:$0x4] =	wrdreg $0x9  }
0xb1: {  	_ =	task.clear_ibuf [dreg:s7], $0x5FFFF;
	_ =	strace $0x90000046  }
0xb2: {  	s29 =	simm.s32 $0x9;
	_ =	strace $0x80000048  }
0xb3: {  	_ =	swait.ge [sflag:s29], $0x1  }
0xb4: {  	[sflag:s29] =	ssyncadd.s32 $0xFFFFFFFF  }
0xb5: {  	_ =	strace $0x90000048  }
0xb6: {  	_ =	sfence  }
0xb7: {  	s30 =	sld [smem:$0x0];
	_ =	sdelay $0x2  }
0xb8: {  	s31 =	sshll.u32 s1, $0xD;
	s1 =	sshrl.u32 s1, $0x2  }
0xb9: {  	s3 =	sand.u32 $0x4000, s31;
	s1 =	sadd.s32 s1, s30  }
0xba: {  	s0 =	sor.u32 s3, s0;
	s1 =	sshll.u32 s1, $0x11  }
0xbb: {  	s0 =	sor.u32 s1, s0  }
0xbc: {  	s0 =	sadd.s32 $0x8F2B, s0  }
0xbd: {  	[sflag:s0] =	ssyncadd.remote.s32 $0x1  }
0xbe: {  	_ =	sfence.sel $0xFFFF  }
0xbf: {  	[dreg:$0x0] =	wrdreg $0xFFFFFFFF;
	(pc) =	sbr.abs _section_cstart, $3  }
0xc0: {  	[dreg:$0x1] =	wrdreg $0xFFFFFFFF  }
0xc1: {  	_ =	task.clear_ibuf [dreg:s7], $0x2FFFF;
	_ =	strace $0x9FFFFFFF  }
0xc2: {  	(tm) =	ssettm $0x7FFFFFFF  }
0xc3: {  	_ =	shalt  }
tec
execute0_lowered:
.L_overlay_start_1:
0x0: {  	(tag) =	ssettag $0x1  }
0x1: {  	s1 =	rddreg [dreg:$0x0]  }
0x2: {  	s6 =	rddreg [dreg:$0x1]  }
0x3: {  	s0 =	rddreg [dreg:$0x2];
	s3 =	simm.s32 $0x0  }
0x4: {  	s4 =	srdreg.scid;
	s2 =	stileid.u32;
	s10 =	simm.s32 $0x80  }
0x5: {  	s11 =	simm.s32 $0x400;
	s12 =	simm.s32 $0x1F100;
	s13 =	simm.s32 $0x1ED00  }
0x6: {  	s14 =	simm.s32 $0x1F500;
	s15 =	simm.s32 $0x1;
	s16 =	simm.s32 $0x2  }
0x7: {  	s17 =	simm.s32 $0x3;
	s18 =	simm.s32 $0xF480;
	s19 =	simm.s32 $0x0  }
.Ltmp0:
0x8: {  	[smem:$0x7FF] =	sst s3;
	s4 =	sand.u32 $0x1, s4;
	(pc) =	sbr.rel .LBB2_1-.Ltmp0, $4  }
0x9: {  	s5 =	sshll.u32 s2, $0x4;
	_ =	strace $0x80000047;
	s7 =	ssub.s32 $0x2, s4  }
0xa: {  	s8 =	sshll.u32 s4, $0x3;
	s4 =	sadd.s32 $0x1400, s6;
	s9 =	sshrl.u32 s7, $0x1  }
0xb: {  	s6 =	sadd.s32 $0x3400, s6;
	s5 =	sor.u32 s8, s5;
	s31 =	ssub.s32 s7, s9  }
0xc: {  	v0 =	vimm.f32 $0.0e+00;
	vm0 =	vmxor vm0, vm0;
	v1 =	vimm.s32 $0x0;
	s7 =	sshll.u32 s5, $0x10;
	s9 =	simm.s32 $0x1E900;
	s8 =	smax.u32 s31, $0x1  }
.LBB2_15:
0xd: {  	s19 =	sadd.s32 $0x1, s19  }
0xe: {  	p0 =	sne.s32 s19, s8  }
.Ltmp1:
0xf: {  	_ = 	snop;
	(pc) =	sbr.rel @!p0 .LBB2_16-.Ltmp1, $1  }
0x10: {  	_ =	sdelay $0x3  }
.LBB2_1:
.Ltmp2:
0x11: {  	(pc) =	sbr.rel .LBB2_2-.Ltmp2, $2  }
0x12: {  	_ =	sdelay $0x2  }
0x13: {  	s20 =	simm.s32 $0x0  }
.LBB2_14:
0x14: {  	_ =	swait.ge [sflag:s15], $0x400  }
0x15: {  	[sflag:s15] =	ssyncset.done $0x0  }
0x16: {  	s21 =	sor.u32 s5, s20;
	[sflag:s15] =	ssyncadd.s32 $0xFFFFFC00  }
0x17: {  	s22 =	smul.u32 $0x1E90, s21;
	_ =	swait.ge [sflag:s15], $0x400  }
0x18: {  	[sflag:s15] =	ssyncset.done $0x0  }
0x19: {  	s21 =	smul.u32 $0xF480, s21;
	s22 =	sadd.s32 s6, s22;
	[sflag:s15] =	ssyncadd.s32 $0xFFFFFC00  }
0x1a: {  	[hbm4b:s22+s3] =	stream.linear.scatter [tilespmem:s3], [sflag:$0x3], $0xF480, $0x38;
	[tilespmem:$0x1F900] =	vst v63  }
0x1b: {  	s20 =	sadd.s32 $0x1, s20;
	s21 =	sshrl.u32 s21, $0x3;
	_ =	swait.ge [sflag:s17], $0xF480  }
0x1c: {  	p0 =	sne.s32 s20, $0x8;
	s21 =	sadd.s32 s6, s21;
	[sflag:s17] =	ssyncset.done $0x0  }
.Ltmp3:
0x1d: {  	s21 =	sadd.s32 $0x1E9000, s21;
	[sflag:s17] =	ssyncadd.s32 $0xFFFF0B80;
	(pc) =	sbr.rel @!p0 .LBB2_15-.Ltmp3, $4  }
0x1e: {  	[hbm4b:s21+s3] =	stream.linear.scatter [tilespmem:s18], [sflag:$0x3], $0xF480, $0x38;
	[tilespmem:$0x1F900] =	vst v63  }
0x1f: {  	_ =	swait.ge [sflag:s17], $0xF480  }
0x20: {  	[sflag:s17] =	ssyncset.done $0x0  }
0x21: {  	[sflag:s17] =	ssyncadd.s32 $0xFFFF0B80  }
.LBB2_2:
0x22: {  	s21 =	simm.s32 $0x0;
	s22 =	simm.s32 $0x200  }
.LBB2_3:
0x23: {  	p0 =	sne.s32 s22, $0x7A200;
	[tilespmem:s21+$0x70] =	vst v0  }
0x24: {  	[tilespmem:s21+$0x0] =	vst v0  }
0x25: {  	[tilespmem:s21+$0x10] =	vst v0  }
.Ltmp4:
0x26: {  	[tilespmem:s21+$0x20] =	vst v0;
	(pc) =	sbr.rel @p0 .LBB2_3-.Ltmp4, $4  }
0x27: {  	[tilespmem:s21+$0x30] =	vst v0  }
0x28: {  	[tilespmem:s21+$0x40] =	vst v0  }
0x29: {  	[tilespmem:s21+$0x50] =	vst v0  }
0x2a: {  	[tilespmem:s21+$0x60] =	vst v0;
	s21 =	sshra.s32 s22, $0x2;
	s22 =	sadd.s32 $0x200, s22  }
0x2b: {  	[tilespmem:s21+$0x70] =	vst v0  }
0x2c: {  	[tilespmem:s21+$0x0] =	vst v0  }
0x2d: {  	[tilespmem:s21+$0x10] =	vst v0  }
0x2e: {  	[tilespmem:s21+$0x20] =	vst v0  }
0x2f: {  	[tilespmem:s21+$0x30] =	vst v0  }
0x30: {  	[tilespmem:s21+$0x40] =	vst v0  }
0x31: {  	[tilespmem:s21+$0x50] =	vst v0  }
0x32: {  	[tilespmem:s21+$0x60] =	vst v0;
	s21 =	simm.s32 $0x0;
	s22 =	sshll.u32 s20, $0x7  }
0x33: {  	[tilespmem:s9], [sflag:$0x1] =	stream.linear.gather [hbm4b:s4+s21], $0x400, $0x38;
	[tilespmem:$0x1F900] =	vst v63  }
.Ltmp5:
0x34: {  	s23 =	sor.u32 s7, s22;
	(pc) =	sbr.rel .LBB2_5-.Ltmp5, $4  }
0x35: {  	s23 =	sshrl.u32 s23, $0x3  }
0x36: {  	s23 =	sadd.s32 s1, s23  }
0x37: {  	[tilespmem:s12], [sflag:$0x1] =	stream.strided.gather [hbm4b:s23+s10], $0x400, s11, s10, $0x38;
	[tilespmem:$0x1F900] =	vst v63  }
0x38: {  	s22 =	sadd.s32 s22, s7;
	s23 =	simm.s32 $0x0  }
.LBB2_13:
0x39: {  	s23 =	sadd.s32 $0x1, s23  }
0x3a: {  	p0 =	sne.s32 s23, $0x20  }
.Ltmp6:
0x3b: {  	_ = 	snop;
	(pc) =	sbr.rel @!p0 .LBB2_14-.Ltmp6, $1  }
0x3c: {  	_ =	sdelay $0x3  }
.LBB2_5:
0x3d: {  	s24 =	sshll.u32 s23, $0x4  }
0x3e: {  	s24 =	sor.u32 $0x8, s24  }
0x3f: {  	s25 =	sshll.u32 s24, $0x4;
	s24 =	sshll.u32 s24, $0xA  }
0x40: {  	s25 =	sadd.s32 s4, s25;
	s24 =	sadd.s32 s22, s24  }
0x41: {  	[tilespmem:s13], [sflag:$0x2] =	stream.linear.gather [hbm4b:s25+s21], $0x400, $0x38;
	[tilespmem:$0x1F900] =	vst v63  }
0x42: {  	s24 =	sshrl.u32 s24, $0x3  }
0x43: {  	s24 =	sadd.s32 s1, s24  }
0x44: {  	[tilespmem:s14], [sflag:$0x2] =	stream.strided.gather [hbm4b:s24+s10], $0x400, s11, s10, $0x38;
	[tilespmem:$0x1F900] =	vst v63  }
0x45: {  	_ =	swait.ge [sflag:s15], $0x400  }
0x46: {  	[sflag:s15] =	ssyncset.done $0x0  }
0x47: {  	[sflag:s15] =	ssyncadd.s32 $0xFFFFFC00  }
0x48: {  	_ =	swait.ge [sflag:s15], $0x400  }
0x49: {  	[sflag:s15] =	ssyncset.done $0x0  }
0x4a: {  	vm1 =	vmmov vm0;
	s24 =	simm.s32 $0x0;
	[sflag:s15] =	ssyncadd.s32 $0xFFFFFC00  }
.LBB2_6:
0x4b: {  	s25 =	sshra.s32 s24, $0x2  }
0x4c: {  	v2 =	vld [tilespmem:s25+$0x1E900];
	_ =	sdelay $0x6  }
0x4d: {  	v3 =	vld [tilespmem:s25+$0x1F100]  }
0x4e: {  	v4 =	vld.idx.msk [tilespmem:v2+s3+$0x0], $0xffff;
	_ =	sdelay $0x4  }
0x4f: {  	vm2 =	vgt.f32 v3, v4;
	_ =	sdelay $0x5  }
0x50: {  	[tilespmem:v2+s3+$0x0] =	vst.idx.msk vm2, v3  }
0x51: {  	v57 =	vld [tilespmem:s25+$0x1E910];
	_ =	sdelay $0x6  }
0x52: {  	v5 =	vld [tilespmem:s25+$0x1F110]  }
0x53: {  	v6 =	vld.idx.msk [tilespmem:v57+s3+$0x0], $0xffff;
	_ =	sdelay $0x4  }
0x54: {  	vm2 =	vgt.f32 v5, v6;
	_ =	sdelay $0x5  }
0x55: {  	v2 =	vld.idx.msk [tilespmem:v2+s3+$0x0], $0xffff;
	[tilespmem:v57+s3+$0x0] =	vst.idx.msk vm2, v5  }
0x56: {  	v58 =	vld [tilespmem:s25+$0x1E920];
	_ =	sdelay $0x6  }
0x57: {  	v7 =	vld [tilespmem:s25+$0x1F120]  }
0x58: {  	v8 =	vld.idx.msk [tilespmem:v58+s3+$0x0], $0xffff;
	_ =	sdelay $0x4  }
0x59: {  	vm2 =	vgt.f32 v7, v8;
	_ =	sdelay $0x5  }
0x5a: {  	v4 =	vld.idx.msk [tilespmem:v57+s3+$0x0], $0xffff;
	[tilespmem:v58+s3+$0x0] =	vst.idx.msk vm2, v7  }
0x5b: {  	v59 =	vld [tilespmem:s25+$0x1E930];
	_ =	sdelay $0x6  }
0x5c: {  	v9 =	vld [tilespmem:s25+$0x1F130]  }
0x5d: {  	v10 =	vld.idx.msk [tilespmem:v59+s3+$0x0], $0xffff;
	_ =	sdelay $0x4  }
0x5e: {  	vm2 =	vgt.f32 v9, v10;
	_ =	sdelay $0x5  }
0x5f: {  	v6 =	vld.idx.msk [tilespmem:v58+s3+$0x0], $0xffff;
	[tilespmem:v59+s3+$0x0] =	vst.idx.msk vm2, v9  }
0x60: {  	v60 =	vld [tilespmem:s25+$0x1E940];
	_ =	sdelay $0x6  }
0x61: {  	v11 =	vld [tilespmem:s25+$0x1F140]  }
0x62: {  	v12 =	vld.idx.msk [tilespmem:v60+s3+$0x0], $0xffff;
	_ =	sdelay $0x4  }
0x63: {  	vm2 =	vgt.f32 v11, v12;
	_ =	sdelay $0x5  }
0x64: {  	v8 =	vld.idx.msk [tilespmem:v59+s3+$0x0], $0xffff;
	[tilespmem:v60+s3+$0x0] =	vst.idx.msk vm2, v11  }
0x65: {  	v61 =	vld [tilespmem:s25+$0x1E950];
	_ =	sdelay $0x6  }
0x66: {  	v13 =	vld [tilespmem:s25+$0x1F150]  }
0x67: {  	v14 =	vld.idx.msk [tilespmem:v61+s3+$0x0], $0xffff;
	_ =	sdelay $0x4  }
0x68: {  	vm2 =	vgt.f32 v13, v14;
	_ =	sdelay $0x5  }
0x69: {  	v10 =	vld.idx.msk [tilespmem:v60+s3+$0x0], $0xffff;
	[tilespmem:v61+s3+$0x0] =	vst.idx.msk vm2, v13  }
0x6a: {  	v62 =	vld [tilespmem:s25+$0x1E960];
	_ =	sdelay $0x6  }
0x6b: {  	v15 =	vld [tilespmem:s25+$0x1F160]  }
0x6c: {  	v16 =	vld.idx.msk [tilespmem:v62+s3+$0x0], $0xffff;
	_ =	sdelay $0x4  }
0x6d: {  	vm2 =	vgt.f32 v15, v16;
	_ =	sdelay $0x5  }
0x6e: {  	v12 =	vld.idx.msk [tilespmem:v61+s3+$0x0], $0xffff;
	[tilespmem:v62+s3+$0x0] =	vst.idx.msk vm2, v15  }
0x6f: {  	v63 =	vld [tilespmem:s25+$0x1E970];
	_ =	sdelay $0x6  }
0x70: {  	v17 =	vld [tilespmem:s25+$0x1F170]  }
0x71: {  	v18 =	vld.idx.msk [tilespmem:v63+s3+$0x0], $0xffff;
	_ =	sdelay $0x4  }
0x72: {  	vm2 =	vgt.f32 v17, v18;
	_ =	sdelay $0x5  }
0x73: {  	vm3 =	vgt.f32 v3, v2;
	v14 =	vld.idx.msk [tilespmem:v62+s3+$0x0], $0xffff;
	[tilespmem:v63+s3+$0x0] =	vst.idx.msk vm2, v17;
	vm2 =	vgt.f32 v5, v4  }
0x74: {  	vm2 =	vmor vm3, vm2;
	vm3 =	vgt.f32 v7, v6;
	v2 =	vld.idx.msk [tilespmem:v63+s3+$0x0], $0xffff  }
0x75: {  	vm2 =	vmor vm2, vm3;
	vm3 =	vgt.f32 v9, v8  }
0x76: {  	p0 =	seq.s32 s24, $0xE00;
	vm2 =	vmor vm2, vm3;
	vm3 =	vgt.f32 v11, v10  }
.Ltmp7:
0x77: {  	vm2 =	vmor vm2, vm3;
	vm3 =	vgt.f32 v13, v12;
	(pc) =	sbr.rel @!p0 .LBB2_6-.Ltmp7, $4  }
0x78: {  	vm2 =	vmor vm2, vm3;
	vm3 =	vgt.f32 v15, v14  }
0x79: {  	vm2 =	vmor vm2, vm3;
	vm3 =	vgt.f32 v17, v2  }
0x7a: {  	vm2 =	vmor vm2, vm3  }
0x7b: {  	s24 =	sadd.s32 $0x200, s24;
	vm1 =	vmor vm1, vm2  }
0x7c: {  	v2 =	vsel vm1, $0x1, v1  }
0x7d: {  	v2 =	vor.u32 $0x80000000, v2  }
0x7e: {  	(xrf0) =	vmax.scan.msk.u32 $0xffff, v2;
	_ =	sdelay $0x5  }
0x7f: {  	v2, _, _ =	vpop (xrf0)  }
0x80: {  	(v2sf) =	vpush v2, $0xF;
	_ =	sdelay $0xe  }
0x81: {  	s24 =	spop (v2sf)  }
0x82: {  	p0 =	sgt.u32 s24, $0x80000000  }
.Ltmp8:
0x83: {  	_ = 	snop;
	(pc) =	sbr.rel @!p0 .LBB2_9-.Ltmp8, $2  }
0x84: {  	_ =	sdelay $0x2  }
0x85: {  	vm1 =	vmmov vm0;
	s24 =	simm.s32 $0x0  }
.LBB2_8:
0x86: {  	s25 =	sshll.u32 s24, $0x7  }
0x87: {  	v2 =	vld [tilespmem:s25+$0x1E900];
	_ =	sdelay $0x6  }
0x88: {  	v3 =	vld [tilespmem:s25+$0x1F100]  }
0x89: {  	v4 =	vld.idx.msk [tilespmem:v2+s3+$0x0], $0xffff;
	_ =	sdelay $0x4  }
0x8a: {  	vm2 =	vgt.f32 v3, v4;
	_ =	sdelay $0x5  }
0x8b: {  	[tilespmem:v2+s3+$0x0] =	vst.idx.msk vm2, v3  }
0x8c: {  	v57 =	vld [tilespmem:s25+$0x1E910];
	_ =	sdelay $0x6  }
0x8d: {  	v5 =	vld [tilespmem:s25+$0x1F110]  }
0x8e: {  	v6 =	vld.idx.msk [tilespmem:v57+s3+$0x0], $0xffff;
	_ =	sdelay $0x4  }
0x8f: {  	vm2 =	vgt.f32 v5, v6;
	_ =	sdelay $0x5  }
0x90: {  	v2 =	vld.idx.msk [tilespmem:v2+s3+$0x0], $0xffff;
	[tilespmem:v57+s3+$0x0] =	vst.idx.msk vm2, v5  }
0x91: {  	v58 =	vld [tilespmem:s25+$0x1E920];
	_ =	sdelay $0x6  }
0x92: {  	v7 =	vld [tilespmem:s25+$0x1F120]  }
0x93: {  	v8 =	vld.idx.msk [tilespmem:v58+s3+$0x0], $0xffff;
	_ =	sdelay $0x4  }
0x94: {  	vm2 =	vgt.f32 v7, v8;
	_ =	sdelay $0x5  }
0x95: {  	v4 =	vld.idx.msk [tilespmem:v57+s3+$0x0], $0xffff;
	[tilespmem:v58+s3+$0x0] =	vst.idx.msk vm2, v7  }
0x96: {  	v59 =	vld [tilespmem:s25+$0x1E930];
	_ =	sdelay $0x6  }
0x97: {  	v9 =	vld [tilespmem:s25+$0x1F130]  }
0x98: {  	v10 =	vld.idx.msk [tilespmem:v59+s3+$0x0], $0xffff;
	_ =	sdelay $0x4  }
0x99: {  	vm2 =	vgt.f32 v9, v10;
	_ =	sdelay $0x5  }
0x9a: {  	v6 =	vld.idx.msk [tilespmem:v58+s3+$0x0], $0xffff;
	[tilespmem:v59+s3+$0x0] =	vst.idx.msk vm2, v9  }
0x9b: {  	v60 =	vld [tilespmem:s25+$0x1E940];
	_ =	sdelay $0x6  }
0x9c: {  	v11 =	vld [tilespmem:s25+$0x1F140]  }
0x9d: {  	v12 =	vld.idx.msk [tilespmem:v60+s3+$0x0], $0xffff;
	_ =	sdelay $0x4  }
0x9e: {  	vm2 =	vgt.f32 v11, v12;
	_ =	sdelay $0x5  }
0x9f: {  	v8 =	vld.idx.msk [tilespmem:v59+s3+$0x0], $0xffff;
	[tilespmem:v60+s3+$0x0] =	vst.idx.msk vm2, v11  }
0xa0: {  	v61 =	vld [tilespmem:s25+$0x1E950];
	_ =	sdelay $0x6  }
0xa1: {  	v13 =	vld [tilespmem:s25+$0x1F150]  }
0xa2: {  	v14 =	vld.idx.msk [tilespmem:v61+s3+$0x0], $0xffff;
	_ =	sdelay $0x4  }
0xa3: {  	vm2 =	vgt.f32 v13, v14;
	_ =	sdelay $0x5  }
0xa4: {  	v10 =	vld.idx.msk [tilespmem:v60+s3+$0x0], $0xffff;
	[tilespmem:v61+s3+$0x0] =	vst.idx.msk vm2, v13  }
0xa5: {  	v62 =	vld [tilespmem:s25+$0x1E960];
	_ =	sdelay $0x6  }
0xa6: {  	v15 =	vld [tilespmem:s25+$0x1F160]  }
0xa7: {  	v16 =	vld.idx.msk [tilespmem:v62+s3+$0x0], $0xffff;
	_ =	sdelay $0x4  }
0xa8: {  	vm2 =	vgt.f32 v15, v16;
	_ =	sdelay $0x5  }
0xa9: {  	v12 =	vld.idx.msk [tilespmem:v61+s3+$0x0], $0xffff;
	[tilespmem:v62+s3+$0x0] =	vst.idx.msk vm2, v15  }
0xaa: {  	v63 =	vld [tilespmem:s25+$0x1E970];
	_ =	sdelay $0x6  }
0xab: {  	v17 =	vld [tilespmem:s25+$0x1F170]  }
0xac: {  	v18 =	vld.idx.msk [tilespmem:v63+s3+$0x0], $0xffff;
	_ =	sdelay $0x4  }
0xad: {  	vm2 =	vgt.f32 v17, v18;
	_ =	sdelay $0x5  }
0xae: {  	vm3 =	vgt.f32 v3, v2;
	v14 =	vld.idx.msk [tilespmem:v62+s3+$0x0], $0xffff;
	[tilespmem:v63+s3+$0x0] =	vst.idx.msk vm2, v17;
	vm2 =	vgt.f32 v5, v4  }
0xaf: {  	vm2 =	vmor vm3, vm2;
	vm3 =	vgt.f32 v7, v6;
	v2 =	vld.idx.msk [tilespmem:v63+s3+$0x0], $0xffff  }
0xb0: {  	vm2 =	vmor vm2, vm3;
	vm3 =	vgt.f32 v9, v8  }
0xb1: {  	vm2 =	vmor vm2, vm3;
	vm3 =	vgt.f32 v11, v10  }
0xb2: {  	vm2 =	vmor vm2, vm3;
	vm3 =	vgt.f32 v13, v12  }
0xb3: {  	vm2 =	vmor vm2, vm3;
	vm3 =	vgt.f32 v15, v14  }
0xb4: {  	s24 =	sadd.s32 $0x1, s24;
	vm2 =	vmor vm2, vm3;
	vm3 =	vgt.f32 v17, v2  }
0xb5: {  	p0 =	seq.s32 s24, $0x8;
	vm2 =	vmor vm2, vm3  }
0xb6: {  	v2 =	vimm.s32 @p0 $0x0;
	vm1 =	vmor vm1, vm2  }
0xb7: {  	v2 =	vsel @p0 vm1, $0x1, v2  }
0xb8: {  	v2 =	vor.u32 @p0 $0x80000000, v2  }
0xb9: {  	(xrf0) =	vmax.scan.msk.u32 @p0 $0xffff, v2;
	_ =	sdelay $0x5  }
0xba: {  	v2, _, _ =	vpop @p0 (xrf0)  }
0xbb: {  	(v2sf) =	vpush @p0 v2, $0xF;
	_ =	sdelay $0xe  }
0xbc: {  	s25 =	spop @p0 (v2sf)  }
0xbd: {  	p1 =	slt.u32 @p0 s25, $0x80000001  }
0xbe: {  	p1 =	por !p0, !p1  }
.Ltmp9:
0xbf: {  	_ = 	snop;
	(pc) =	sbr.rel @p1 .LBB2_8-.Ltmp9, $3  }
0xc0: {  	_ =	sdelay $0x1  }
0xc1: {  	vm2 =	vmxor @p0 vm2, vm2  }
0xc2: {  	s24 =	simm.s32 @p0 $0x0;
	vm1 =	vmmov @p0 vm2  }
.LBB2_9:
0xc3: {  	s24 =	sshll.u32 s23, $0x1  }
0xc4: {  	s24 =	smin.u32 s24, $0x3C  }
0xc5: {  	s25 =	sadd.s32 $0x2, s24  }
0xc6: {  	s24 =	sshll.u32 s25, $0x7;
	s25 =	sshll.u32 s25, $0xD  }
0xc7: {  	s26 =	sadd.s32 s4, s24;
	s24 =	simm.s32 $0x0;
	s25 =	sadd.s32 s22, s25  }
0xc8: {  	[tilespmem:s9], [sflag:$0x1] =	stream.linear.gather [hbm4b:s26+s24], $0x400, $0x38;
	[tilespmem:$0x1F900] =	vst v63  }
0xc9: {  	s25 =	sshrl.u32 s25, $0x3  }
0xca: {  	s25 =	sadd.s32 s1, s25  }
0xcb: {  	[tilespmem:s12], [sflag:$0x1] =	stream.strided.gather [hbm4b:s25+s10], $0x400, s11, s10, $0x38;
	[tilespmem:$0x1F900] =	vst v63  }
0xcc: {  	_ =	swait.ge [sflag:s16], $0x400  }
0xcd: {  	[sflag:s16] =	ssyncset.done $0x0  }
0xce: {  	[sflag:s16] =	ssyncadd.s32 $0xFFFFFC00  }
0xcf: {  	_ =	swait.ge [sflag:s16], $0x400  }
0xd0: {  	[sflag:s16] =	ssyncset.done $0x0  }
0xd1: {  	vm1 =	vmmov vm0;
	[sflag:s16] =	ssyncadd.s32 $0xFFFFFC00  }
.LBB2_10:
0xd2: {  	s25 =	sshra.s32 s24, $0x2  }
0xd3: {  	v2 =	vld [tilespmem:s25+$0x1ED00];
	_ =	sdelay $0x6  }
0xd4: {  	v3 =	vld [tilespmem:s25+$0x1F500]  }
0xd5: {  	v4 =	vld.idx.msk [tilespmem:v2+s3+$0x0], $0xffff;
	_ =	sdelay $0x4  }
0xd6: {  	vm2 =	vgt.f32 v3, v4;
	_ =	sdelay $0x5  }
0xd7: {  	[tilespmem:v2+s3+$0x0] =	vst.idx.msk vm2, v3  }
0xd8: {  	v57 =	vld [tilespmem:s25+$0x1ED10];
	_ =	sdelay $0x6  }
0xd9: {  	v5 =	vld [tilespmem:s25+$0x1F510]  }
0xda: {  	v6 =	vld.idx.msk [tilespmem:v57+s3+$0x0], $0xffff;
	_ =	sdelay $0x4  }
0xdb: {  	vm2 =	vgt.f32 v5, v6;
	_ =	sdelay $0x5  }
0xdc: {  	v2 =	vld.idx.msk [tilespmem:v2+s3+$0x0], $0xffff;
	[tilespmem:v57+s3+$0x0] =	vst.idx.msk vm2, v5  }
0xdd: {  	v58 =	vld [tilespmem:s25+$0x1ED20];
	_ =	sdelay $0x6  }
0xde: {  	v7 =	vld [tilespmem:s25+$0x1F520]  }
0xdf: {  	v8 =	vld.idx.msk [tilespmem:v58+s3+$0x0], $0xffff;
	_ =	sdelay $0x4  }
0xe0: {  	vm2 =	vgt.f32 v7, v8;
	_ =	sdelay $0x5  }
0xe1: {  	v4 =	vld.idx.msk [tilespmem:v57+s3+$0x0], $0xffff;
	[tilespmem:v58+s3+$0x0] =	vst.idx.msk vm2, v7  }
0xe2: {  	v59 =	vld [tilespmem:s25+$0x1ED30];
	_ =	sdelay $0x6  }
0xe3: {  	v9 =	vld [tilespmem:s25+$0x1F530]  }
0xe4: {  	v10 =	vld.idx.msk [tilespmem:v59+s3+$0x0], $0xffff;
	_ =	sdelay $0x4  }
0xe5: {  	vm2 =	vgt.f32 v9, v10;
	_ =	sdelay $0x5  }
0xe6: {  	v6 =	vld.idx.msk [tilespmem:v58+s3+$0x0], $0xffff;
	[tilespmem:v59+s3+$0x0] =	vst.idx.msk vm2, v9  }
0xe7: {  	v60 =	vld [tilespmem:s25+$0x1ED40];
	_ =	sdelay $0x6  }
0xe8: {  	v11 =	vld [tilespmem:s25+$0x1F540]  }
0xe9: {  	v12 =	vld.idx.msk [tilespmem:v60+s3+$0x0], $0xffff;
	_ =	sdelay $0x4  }
0xea: {  	vm2 =	vgt.f32 v11, v12;
	_ =	sdelay $0x5  }
0xeb: {  	v8 =	vld.idx.msk [tilespmem:v59+s3+$0x0], $0xffff;
	[tilespmem:v60+s3+$0x0] =	vst.idx.msk vm2, v11  }
0xec: {  	v61 =	vld [tilespmem:s25+$0x1ED50];
	_ =	sdelay $0x6  }
0xed: {  	v13 =	vld [tilespmem:s25+$0x1F550]  }
0xee: {  	v14 =	vld.idx.msk [tilespmem:v61+s3+$0x0], $0xffff;
	_ =	sdelay $0x4  }
0xef: {  	vm2 =	vgt.f32 v13, v14;
	_ =	sdelay $0x5  }
0xf0: {  	v10 =	vld.idx.msk [tilespmem:v60+s3+$0x0], $0xffff;
	[tilespmem:v61+s3+$0x0] =	vst.idx.msk vm2, v13  }
0xf1: {  	v62 =	vld [tilespmem:s25+$0x1ED60];
	_ =	sdelay $0x6  }
0xf2: {  	v15 =	vld [tilespmem:s25+$0x1F560]  }
0xf3: {  	v16 =	vld.idx.msk [tilespmem:v62+s3+$0x0], $0xffff;
	_ =	sdelay $0x4  }
0xf4: {  	vm2 =	vgt.f32 v15, v16;
	_ =	sdelay $0x5  }
0xf5: {  	v12 =	vld.idx.msk [tilespmem:v61+s3+$0x0], $0xffff;
	[tilespmem:v62+s3+$0x0] =	vst.idx.msk vm2, v15  }
0xf6: {  	v63 =	vld [tilespmem:s25+$0x1ED70];
	_ =	sdelay $0x6  }
0xf7: {  	v17 =	vld [tilespmem:s25+$0x1F570]  }
0xf8: {  	v18 =	vld.idx.msk [tilespmem:v63+s3+$0x0], $0xffff;
	_ =	sdelay $0x4  }
0xf9: {  	vm2 =	vgt.f32 v17, v18;
	_ =	sdelay $0x5  }
0xfa: {  	vm3 =	vgt.f32 v3, v2;
	v14 =	vld.idx.msk [tilespmem:v62+s3+$0x0], $0xffff;
	[tilespmem:v63+s3+$0x0] =	vst.idx.msk vm2, v17;
	vm2 =	vgt.f32 v5, v4  }
0xfb: {  	vm2 =	vmor vm3, vm2;
	vm3 =	vgt.f32 v7, v6;
	v2 =	vld.idx.msk [tilespmem:v63+s3+$0x0], $0xffff  }
0xfc: {  	vm2 =	vmor vm2, vm3;
	vm3 =	vgt.f32 v9, v8  }
0xfd: {  	p0 =	seq.s32 s24, $0xE00;
	vm2 =	vmor vm2, vm3;
	vm3 =	vgt.f32 v11, v10  }
.Ltmp10:
0xfe: {  	vm2 =	vmor vm2, vm3;
	vm3 =	vgt.f32 v13, v12;
	(pc) =	sbr.rel @!p0 .LBB2_10-.Ltmp10, $4  }
0xff: {  	vm2 =	vmor vm2, vm3;
	vm3 =	vgt.f32 v15, v14  }
0x100: {  	vm2 =	vmor vm2, vm3;
	vm3 =	vgt.f32 v17, v2  }
0x101: {  	vm2 =	vmor vm2, vm3  }
0x102: {  	s24 =	sadd.s32 $0x200, s24;
	vm1 =	vmor vm1, vm2  }
0x103: {  	v2 =	vsel vm1, $0x1, v1  }
0x104: {  	v2 =	vor.u32 $0x80000000, v2  }
0x105: {  	(xrf0) =	vmax.scan.msk.u32 $0xffff, v2;
	_ =	sdelay $0x5  }
0x106: {  	v2, _, _ =	vpop (xrf0)  }
0x107: {  	(v2sf) =	vpush v2, $0xF;
	_ =	sdelay $0xe  }
0x108: {  	s24 =	spop (v2sf)  }
0x109: {  	p0 =	sgt.u32 s24, $0x80000000  }
.Ltmp11:
0x10a: {  	_ = 	snop;
	(pc) =	sbr.rel @!p0 .LBB2_13-.Ltmp11, $2  }
0x10b: {  	_ =	sdelay $0x2  }
0x10c: {  	vm1 =	vmmov vm0;
	s24 =	simm.s32 $0x0  }
.LBB2_12:
0x10d: {  	s25 =	sshll.u32 s24, $0x7  }
0x10e: {  	v2 =	vld [tilespmem:s25+$0x1ED00];
	_ =	sdelay $0x6  }
0x10f: {  	v3 =	vld [tilespmem:s25+$0x1F500]  }
0x110: {  	v4 =	vld.idx.msk [tilespmem:v2+s3+$0x0], $0xffff;
	_ =	sdelay $0x4  }
0x111: {  	vm2 =	vgt.f32 v3, v4;
	_ =	sdelay $0x5  }
0x112: {  	[tilespmem:v2+s3+$0x0] =	vst.idx.msk vm2, v3  }
0x113: {  	v57 =	vld [tilespmem:s25+$0x1ED10];
	_ =	sdelay $0x6  }
0x114: {  	v5 =	vld [tilespmem:s25+$0x1F510]  }
0x115: {  	v6 =	vld.idx.msk [tilespmem:v57+s3+$0x0], $0xffff;
	_ =	sdelay $0x4  }
0x116: {  	vm2 =	vgt.f32 v5, v6;
	_ =	sdelay $0x5  }
0x117: {  	v2 =	vld.idx.msk [tilespmem:v2+s3+$0x0], $0xffff;
	[tilespmem:v57+s3+$0x0] =	vst.idx.msk vm2, v5  }
0x118: {  	v58 =	vld [tilespmem:s25+$0x1ED20];
	_ =	sdelay $0x6  }
0x119: {  	v7 =	vld [tilespmem:s25+$0x1F520]  }
0x11a: {  	v8 =	vld.idx.msk [tilespmem:v58+s3+$0x0], $0xffff;
	_ =	sdelay $0x4  }
0x11b: {  	vm2 =	vgt.f32 v7, v8;
	_ =	sdelay $0x5  }
0x11c: {  	v4 =	vld.idx.msk [tilespmem:v57+s3+$0x0], $0xffff;
	[tilespmem:v58+s3+$0x0] =	vst.idx.msk vm2, v7  }
0x11d: {  	v59 =	vld [tilespmem:s25+$0x1ED30];
	_ =	sdelay $0x6  }
0x11e: {  	v9 =	vld [tilespmem:s25+$0x1F530]  }
0x11f: {  	v10 =	vld.idx.msk [tilespmem:v59+s3+$0x0], $0xffff;
	_ =	sdelay $0x4  }
0x120: {  	vm2 =	vgt.f32 v9, v10;
	_ =	sdelay $0x5  }
0x121: {  	v6 =	vld.idx.msk [tilespmem:v58+s3+$0x0], $0xffff;
	[tilespmem:v59+s3+$0x0] =	vst.idx.msk vm2, v9  }
0x122: {  	v60 =	vld [tilespmem:s25+$0x1ED40];
	_ =	sdelay $0x6  }
0x123: {  	v11 =	vld [tilespmem:s25+$0x1F540]  }
0x124: {  	v12 =	vld.idx.msk [tilespmem:v60+s3+$0x0], $0xffff;
	_ =	sdelay $0x4  }
0x125: {  	vm2 =	vgt.f32 v11, v12;
	_ =	sdelay $0x5  }
0x126: {  	v8 =	vld.idx.msk [tilespmem:v59+s3+$0x0], $0xffff;
	[tilespmem:v60+s3+$0x0] =	vst.idx.msk vm2, v11  }
0x127: {  	v61 =	vld [tilespmem:s25+$0x1ED50];
	_ =	sdelay $0x6  }
0x128: {  	v13 =	vld [tilespmem:s25+$0x1F550]  }
0x129: {  	v14 =	vld.idx.msk [tilespmem:v61+s3+$0x0], $0xffff;
	_ =	sdelay $0x4  }
0x12a: {  	vm2 =	vgt.f32 v13, v14;
	_ =	sdelay $0x5  }
0x12b: {  	v10 =	vld.idx.msk [tilespmem:v60+s3+$0x0], $0xffff;
	[tilespmem:v61+s3+$0x0] =	vst.idx.msk vm2, v13  }
0x12c: {  	v62 =	vld [tilespmem:s25+$0x1ED60];
	_ =	sdelay $0x6  }
0x12d: {  	v15 =	vld [tilespmem:s25+$0x1F560]  }
0x12e: {  	v16 =	vld.idx.msk [tilespmem:v62+s3+$0x0], $0xffff;
	_ =	sdelay $0x4  }
0x12f: {  	vm2 =	vgt.f32 v15, v16;
	_ =	sdelay $0x5  }
0x130: {  	v12 =	vld.idx.msk [tilespmem:v61+s3+$0x0], $0xffff;
	[tilespmem:v62+s3+$0x0] =	vst.idx.msk vm2, v15  }
0x131: {  	v63 =	vld [tilespmem:s25+$0x1ED70];
	_ =	sdelay $0x6  }
0x132: {  	v17 =	vld [tilespmem:s25+$0x1F570]  }
0x133: {  	v18 =	vld.idx.msk [tilespmem:v63+s3+$0x0], $0xffff;
	_ =	sdelay $0x4  }
0x134: {  	vm2 =	vgt.f32 v17, v18;
	_ =	sdelay $0x5  }
0x135: {  	vm3 =	vgt.f32 v3, v2;
	v14 =	vld.idx.msk [tilespmem:v62+s3+$0x0], $0xffff;
	[tilespmem:v63+s3+$0x0] =	vst.idx.msk vm2, v17;
	vm2 =	vgt.f32 v5, v4  }
0x136: {  	vm2 =	vmor vm3, vm2;
	vm3 =	vgt.f32 v7, v6;
	v2 =	vld.idx.msk [tilespmem:v63+s3+$0x0], $0xffff  }
0x137: {  	vm2 =	vmor vm2, vm3;
	vm3 =	vgt.f32 v9, v8  }
0x138: {  	vm2 =	vmor vm2, vm3;
	vm3 =	vgt.f32 v11, v10  }
0x139: {  	vm2 =	vmor vm2, vm3;
	vm3 =	vgt.f32 v13, v12  }
0x13a: {  	vm2 =	vmor vm2, vm3;
	vm3 =	vgt.f32 v15, v14  }
0x13b: {  	s24 =	sadd.s32 $0x1, s24;
	vm2 =	vmor vm2, vm3;
	vm3 =	vgt.f32 v17, v2  }
0x13c: {  	p0 =	seq.s32 s24, $0x8;
	vm2 =	vmor vm2, vm3  }
0x13d: {  	v2 =	vimm.s32 @p0 $0x0;
	vm1 =	vmor vm1, vm2  }
0x13e: {  	v2 =	vsel @p0 vm1, $0x1, v2  }
0x13f: {  	v2 =	vor.u32 @p0 $0x80000000, v2  }
0x140: {  	(xrf0) =	vmax.scan.msk.u32 @p0 $0xffff, v2;
	_ =	sdelay $0x5  }
0x141: {  	v2, _, _ =	vpop @p0 (xrf0)  }
0x142: {  	(v2sf) =	vpush @p0 v2, $0xF;
	_ =	sdelay $0xe  }
0x143: {  	s25 =	spop @p0 (v2sf)  }
0x144: {  	p1 =	slt.u32 @p0 s25, $0x80000001  }
0x145: {  	p1 =	por !p0, !p1  }
.Ltmp12:
0x146: {  	_ = 	snop;
	(pc) =	sbr.rel @p1 .LBB2_12-.Ltmp12, $3  }
0x147: {  	_ =	sdelay $0x1  }
0x148: {  	vm2 =	vmxor @p0 vm2, vm2  }
0x149: {  	s24 =	simm.s32 @p0 $0x0;
	vm1 =	vmmov @p0 vm2  }
.Ltmp13:
0x14a: {  	_ = 	snop;
	(pc) =	sbr.rel .LBB2_13-.Ltmp13, $1  }
0x14b: {  	_ =	sdelay $0x3  }
.LBB2_16:
0x14c: {  	_ =	sfence.sel $0x180000  }
0x14d: {  	[bflag:$0x0] =	sbarrier.arrive $0xFFFF  }
0x14e: {  	p0 =	sne.s32 s2, $0x0;
	_ =	strace $0x90000047  }
0x14f: {  	s0 =	sadd.s32 @!p0 $0x100000, s0;
	[bflag:$0x2] =	sbarrier.arrive $0xFFFF  }
0x150: {  	[sflag:s0] =	ssyncadd.tile.s32 @!p0 $0x1;
	_ =	shalt  }
.Lfunc_end2:
_tile_overlayer_lowered:
.L_overlay_start_2:
0x151: {  	(tag) =	ssettag $0x2  }
0x152: {  	s0 =	rddreg [dreg:$0x0];
	s2 =	stileid.u32  }
0x153: {  	s1 =	rddreg [dreg:$0x1];
	p0 =	sne.s32 s2, $0x0  }
0x154: {  	s3 =	rddreg [dreg:$0x2];
	[bflag:$0x3] =	sbarrier.arrive $0xFFFF;
	s2 =	simm.s32 @!p0 $0x1C03  }
0x155: {  	[timem:s3], [sflag:s2] =	dma.local @!p0 [hbm:s0], s1  }
0x156: {  	s0 =	simm.s32 @!p0 $0x3  }
0x157: {  	_ =	swait.ge @!p0 [sflag:s0], s1  }
0x158: {  	s1 =	ssub.s32 @!p0 $0x0, s1;
	[sflag:s0] =	ssyncset.done @!p0 $0x0  }
0x159: {  	[sflag:s0] =	ssyncadd.s32 @!p0 s1  }
0x15a: {  	[bflag:$0x3] =	sbarrier.arrive $0xFFFF  }
0x15b: {  	_ =	shalt  }

// kernel: sparse-core-data-format-call.cloned.1.call-start
scs
called_computation_lowered:
.L_overlay_start_0:
0x0: {  	s2 =	sld [smem:$0x3FD9]  }
0x1: {  	s3 =	sld [smem:$0x3FFE];
	_ =	sdelay $0x1  }
0x2: {  	s1 =	srdreg.scid  }
0x3: {  	s0 =	sand.u32 $0x1, s1  }
0x4: {  	s18 =	sshll.u32 s0, $0xA;
	s2 =	sadd.s32 s3, s2  }
0x5: {  	s2 =	sadd.s32 s2, s18  }
0x6: {  	[smem:$0x3FBC] =	sst s2  }
0x7: {  	_ = 	snop  }
0x8: {  	s2 =	sld [smem:$0x3FD0];
	(tm) =	ssettm $0x1  }
0x9: {  	s19 =	sld [smem:$0x3FFB];
	_ =	sdelay $0x3  }
0xa: {  	_ =	strace s19  }
0xb: {  	s3 =	sld [smem:$0x3FFC];
	_ =	sdelay $0x3  }
0xc: {  	_ =	strace s3  }
0xd: {  	s3 =	sld [smem:$0x3FFD];
	_ =	sdelay $0x3  }
0xe: {  	_ =	strace s3  }
0xf: {  	_ =	strace $0x8FFFFFFF  }
0x10: {  	s20 =	sld [smem:$0x3FDB];
	_ =	sdelay $0x1  }
0x11: {  	s4 =	simm.s32 $_scs_section_size  }
0x12: {  	s5 =	simm.s32 $_size__tile_overlayer_lowered;
	s6 =	simm.s32 $_tile_overlayer_lowered  }
0x13: {  	s23 =	simm.s32 $0x1BFF;
	s22 =	sshll.u32 s6, $0x1;
	s3 =	sadd.s32 s4, s20  }
0x14: {  	s7 =	simm.s32 $0x0;
	s21 =	sshll.u32 s5, $0x1;
	s5 =	sadd.s32 s22, s3  }
0x15: {  	[timem:s7], [sflag:s23] =	dma.local [hbm:s5], s21  }
0x16: {  	_ =	swait.ge [sflag:s23], s21  }
0x17: {  	s4 =	ssub.s32 $0x0, s21;
	[sflag:s23] =	ssyncset.done $0x0  }
0x18: {  	[sflag:s23] =	ssyncadd.s32 s4;
	_ =	sdelay $0x1  }
0x19: {  	s24 =	simm.s32 $0x1B8B  }
0x1a: {  	_ =	swait.ge [sflag:s24], $0x1  }
0x1b: {  	[sflag:s24] =	ssyncset.done $0x0  }
0x1c: {  	s26 =	simm.s32 $0x1B8E;
	s25 =	sld [smem:$0x3FFE];
	[sflag:s24] =	ssyncadd.s32 $0xFFFFFFFF  }
0x1d: {  	s27 =	simm.s32 $execute0_lowered;
	[smem:$0x3FD2] =	sst s26  }
0x1e: {  	s5 =	sshll.u32 s27, $0x1;
	_ =	strace $0x80000049;
	[dreg:$0x1] =	wrdreg $0xFFFFFFFF  }
0x1f: {  	s28 =	simm.s32 $_size_execute0_lowered;
	s3 =	sadd.s32 s3, s5;
	[dreg:$0x0] =	wrdreg $0x0  }
0x20: {  	s5 =	sshll.u32 s28, $0x1;
	[dreg:$0x2] =	wrdreg s3  }
0x21: {  	[dreg:$0x3] =	wrdreg s5  }
0x22: {  	[dreg:$0x4] =	wrdreg $0xC0  }
0x23: {  	_ =	task [dreg:s7], $0x5FFFF  }
0x24: {  	[dreg:$0x1] =	wrdreg $0xFFFFFFFF  }
0x25: {  	[dreg:$0x0] =	wrdreg $0x60  }
0x26: {  	[dreg:$0x2] =	wrdreg s25  }
0x27: {  	[dreg:$0x3] =	wrdreg s2  }
0x28: {  	[dreg:$0x4] =	wrdreg $0x9  }
0x29: {  	_ =	task.clear_ibuf [dreg:s7], $0x5FFFF;
	_ =	strace $0x90000049  }
0x2a: {  	s29 =	simm.s32 $0x9;
	_ =	strace $0x8000004B  }
0x2b: {  	_ =	swait.ge [sflag:s29], $0x1  }
0x2c: {  	[sflag:s29] =	ssyncadd.s32 $0xFFFFFFFF  }
0x2d: {  	_ =	strace $0x9000004B  }
0x2e: {  	_ =	sfence  }
0x2f: {  	s30 =	sld [smem:$0x0];
	_ =	sdelay $0x2  }
0x30: {  	s31 =	sshll.u32 s1, $0xD;
	s1 =	sshrl.u32 s1, $0x2  }
0x31: {  	s3 =	sand.u32 $0x4000, s31;
	s1 =	sadd.s32 s1, s30  }
0x32: {  	s0 =	sor.u32 s3, s0;
	s1 =	sshll.u32 s1, $0x11  }
0x33: {  	s0 =	sor.u32 s1, s0  }
0x34: {  	s0 =	sadd.s32 $0x8F2B, s0  }
0x35: {  	[sflag:s0] =	ssyncadd.remote.s32 $0x1  }
0x36: {  	_ =	sfence.sel $0xFFFF  }
0x37: {  	[dreg:$0x0] =	wrdreg $0xFFFFFFFF;
	(pc) =	sbr.abs _section_cstart, $3  }
0x38: {  	[dreg:$0x1] =	wrdreg $0xFFFFFFFF  }
0x39: {  	_ =	task.clear_ibuf [dreg:s7], $0x2FFFF;
	_ =	strace $0x9FFFFFFF  }
0x3a: {  	(tm) =	ssettm $0x7FFFFFFF  }
0x3b: {  	_ =	shalt  }
tec
execute0_lowered:
.L_overlay_start_1:
0x0: {  	(tag) =	ssettag $0x1  }
0x1: {  	s8 =	rddreg [dreg:$0x0]  }
0x2: {  	s0 =	stileid.u32;
	s3 =	srdreg.scid;
	s31 =	simm.s32 $0x2  }
0x3: {  	s19 =	simm.s32 $0x0;
	p0 =	por $0x0, $0x0;
	s10 =	simm.s32 $0x200  }
0x4: {  	s18 =	simm.s32 $0x0;
	s20 =	simm.s32 $0x0;
	s11 =	simm.s32 $0x0  }
0x5: {  	s12 =	simm.s32 $0x0;
	s13 =	simm.s32 $0x0;
	s2 =	sshll.u32 s0, $0x6  }
0x6: {  	s1 =	sand.u32 $0x1, s0;
	s4 =	sshll.u32 s0, $0x5;
	s2 =	sand.u32 $0x80, s2  }
0x7: {  	s3 =	sshll.u32 s3, $0x9;
	s28 =	ssub.s32 $0x2, s1;
	s5 =	ssub.s32 $0x100, s2  }
0x8: {  	s3 =	sor.u32 s4, s3;
	s6 =	sshrl.u32 s28, $0x1;
	s7 =	sshrl.u32 s5, $0x7  }
0x9: {  	s4 =	sand.u32 $0x1, s28;
	s5 =	sshrl.u32 s5, $0x8;
	s7 =	sand.u32 $0x1, s7  }
0xa: {  	s3 =	sand.u32 $0x380, s3;
	s4 =	sadd.s32 s4, s6;
	s29 =	sadd.s32 s5, s7  }
0xb: {  	s17 =	simm.s32 $0x0;
	s30 =	ssub.s32 $0xF400, s3;
	s9 =	smul.u32 s4, s29  }
.Ltmp0:
0xc: {  	s8 =	sadd.s32 $0x3D5400, s8;
	s7 =	sshrl.u32 s30, $0xA;
	(pc) =	sbr.rel .LBB1_1-.Ltmp0, $4  }
0xd: {  	s6 =	simm.s32 $0x1;
	s5 =	rddreg [dreg:$0x1];
	s7 =	sadd.s32 $0x1, s7  }
0xe: {  	s4 =	rddreg [dreg:$0x2];
	_ =	strace $0x8000004A;
	s7 =	smul.u32 s7, s9  }
0xf: {  	s16 =	smov.u32 s1;
	s15 =	smov.u32 s2;
	[sflag:s6] =	ssyncpa.u1 $0x0  }
0x10: {  	s14 =	smov.u32 s3;
	[sflag:s31] =	ssyncpa.u1 $0x0;
	s9 =	sadd.s32 $0x1, s7  }
.LBB1_4:
0x11: {  	s25 =	sshra.s32 s25, $0x2  }
0x12: {  	p1 =	sgt.s32 s13, $0x1;
	s26 =	sshra.s32 s13, $0x1F;
	s27 =	smov.u32 s12  }
0x13: {  	s28 =	sshra.s32 s12, $0x1F;
	s24 =	sadd.s32 s25, s24;
	s25 =	smov.u32 s13  }
0x14: {  	s26 =	sand.u32 s26, s13;
	s25 =	simm.s32 @!p1 $0x1;
	p1 =	sgt.s32 s12, $0x80  }
0x15: {  	v5 =	vld [tilespmem:s22+$0xFFFFFFD0];
	s30 =	sshra.s32 s11, $0x1F;
	s26 =	sxor.u32 $0xFFFFFFFF, s26;
	s27 =	simm.s32 @!p1 $0x80  }
0x16: {  	[tilespmem:s23+$0x2040 ss:$0x81] =	vst.msk $0xffff, v4;
	v58 =	vld [tilespmem:s22+$0xFFFFFFE0];
	p1 =	sgt.s32 s11, $0xF3A4;
	s25 =	sadd.s32 s26, s25;
	s26 =	smov.u32 s11  }
0x17: {  	[tilespmem:s23+$0x2850 ss:$0x81] =	vst.msk $0xffff, v3;
	v59 =	vld [tilespmem:s22+$0xFFFFFFF0];
	s29 =	sand.u32 $0x78, s12;
	s28 =	sand.u32 s28, s12;
	s26 =	simm.s32 @!p1 $0xF3A4  }
0x18: {  	[tilespmem:s23+$0x3060 ss:$0x81] =	vst.msk $0xffff, v2;
	v60 =	vld [tilespmem:s22+$0x0];
	s27 =	ssub.s32 s27, s28;
	s28 =	sand.u32 s30, s11;
	p1 =	sgt.s32 s25, $0x0  }
0x19: {  	[tilespmem:s23+$0x0 ss:$0x81] =	vst.msk $0xffff, v1;
	v61 =	vld [tilespmem:s22+$0x10];
	s25 =	ssub.s32 $0x1, s25;
	s30 =	sshll.u32 s13, $0x7;
	s23 =	ssub.s32 s26, s28  }
0x1a: {  	v62 =	vld [tilespmem:s22+$0x20];
	[tilespmem:s24+$0x3870 ss:$0x81] =	vst.msk $0xffff, v0;
	s25 =	simm.s32 @p1 $0x0;
	s31 =	sadd.s32 $0xFFFFFF80, s27;
	s27 =	ssub.s32 $0x100, s27  }
0x1b: {  	v63 =	vld [tilespmem:s22+$0xFFFFFFC0];
	[tilespmem:s24+$0x810 ss:$0x81] =	vst.msk $0xffff, v5;
	s22 =	sand.u32 $0x80, s30;
	p1 =	sgt.s32 s31, $0x7F;
	s28 =	sadd.s32 $0xFFFF0C5C, s23  }
0x1c: {  	[tilespmem:s24+$0x1020 ss:$0x81] =	vst.msk $0xffff, v58;
	s23 =	ssub.s32 $0xF424, s23;
	s31 =	sshrl.u32 s12, $0x2;
	s27 =	simm.s32 @p1 $0x0  }
0x1d: {  	[tilespmem:s24+$0x1830 ss:$0x81] =	vst.msk $0xffff, v59;
	s22 =	sor.u32 s29, s22;
	p1 =	sgt.s32 s28, $0x7F;
	s25 =	smul.u32 s25, s27  }
0x1e: {  	[tilespmem:s24+$0x2040 ss:$0x81] =	vst.msk $0xffff, v60;
	s29 =	sand.u32 $0x7, s12;
	s23 =	simm.s32 @p1 $0x0;
	s27 =	sand.u32 $0x20, s31  }
0x1f: {  	[tilespmem:s24+$0x2850 ss:$0x81] =	vst.msk $0xffff, v61;
	s28 =	sshll.u32 s11, $0x6;
	s23 =	smul.u32 s23, s25;
	s25 =	sadd.s32 s5, s27  }
0x20: {  	[tilespmem:s24+$0x3060 ss:$0x81] =	vst.msk $0xffff, v62;
	s22 =	sshrl.u32 s22, $0x3;
	s30 =	sshll.u32 s29, $0x12;
	s25 =	sadd.s32 s28, s25  }
0x21: {  	[tilespmem:s24+$0x0 ss:$0x81] =	vst.msk $0xffff, v63;
	s31 =	sor.u32 $0x80, s30;
	s23 =	sand.u32 $0x3FFFFFFF, s23;
	s22 =	sadd.s32 s22, s25  }
0x22: {  	[hbm4b:s22+s31] =	stream.strided.scatter [tilespmem:s21], [sflag:$0x2], s23, s10, s31, $0x20;
	[tilespmem:$0x10100] =	vst v63  }
.LBB1_5:
0x23: {  	p1 =	slt.u32 s17, $0x2  }
0x24: {  	s21 =	smov.u32 s19;
	p2 =	sgt.s32 @!p1 s19, $0xF3A4;
	s22 =	sshra.s32 @!p1 s19, $0x1F  }
0x25: {  	p3 =	sgt.s32 @!p1 s20, $0x1;
	s23 =	sshra.s32 @!p1 s18, $0x1F;
	p2 =	por !p2, p1  }
0x26: {  	s19 =	sand.u32 @!p1 s22, s19;
	s22 =	sshra.s32 @!p1 s20, $0x1F;
	s23 =	sand.u32 @!p1 s23, s18  }
0x27: {  	s21 =	simm.s32 @p2 $0xF3A4;
	p2 =	por !p3, p1;
	p3 =	sgt.s32 @!p1 s18, $0x80  }
0x28: {  	s22 =	sand.u32 @!p1 s22, s20;
	p3 =	por !p3, p1;
	s20 =	simm.s32 @p2 $0x1  }
0x29: {  	s22 =	sxor.u32 @!p1 $0xFFFFFFFF, s22;
	s19 =	ssub.s32 @!p1 s21, s19;
	s18 =	simm.s32 @p3 $0x80  }
0x2a: {  	s20 =	sadd.s32 @!p1 s22, s20;
	s21 =	sadd.s32 @!p1 $0xFFFF0C5C, s19;
	s18 =	ssub.s32 @!p1 s18, s23  }
0x2b: {  	s19 =	ssub.s32 @!p1 $0xF424, s19;
	p2 =	sgt.s32 @!p1 s20, $0x0;
	s22 =	sadd.s32 @!p1 $0xFFFFFF80, s18  }
0x2c: {  	s20 =	ssub.s32 @!p1 $0x1, s20;
	p2 =	por !p2, p1;
	p3 =	sgt.s32 @!p1 s22, $0x7F  }
0x2d: {  	s18 =	ssub.s32 @!p1 $0x100, s18;
	s20 =	simm.s32 @!p2 $0x0;
	p2 =	por !p3, p1  }
0x2e: {  	s22 =	smov.u32 s15;
	p3 =	sgt.s32 @!p1 s21, $0x7F;
	s18 =	simm.s32 @!p2 $0x0  }
0x2f: {  	s21 =	sadd.s32 $0x400, s14;
	p2 =	por !p3, p1;
	s18 =	smul.u32 @!p1 s20, s18  }
0x30: {  	s19 =	simm.s32 @!p2 $0x0;
	p2 =	sgt.s32 s21, $0xF423;
	s20 =	sadd.s32 $0x100, s15  }
0x31: {  	s23 =	smov.u32 s16;
	s22 =	smov.u32 @p2 s20  }
0x32: {  	s18 =	smul.u32 @!p1 s19, s18;
	p3 =	sgt.s32 s22, $0xFF;
	s19 =	sadd.s32 $0x2, s16  }
0x33: {  	p0 =	por !p0, !p0;
	s24 =	simm.s32 @!p1 $0x2;
	s23 =	smov.u32 @p3 s19  }
0x34: {  	s21 =	smov.u32 @p2 s3;
	s20 =	smov.u32 s13;
	p2 =	sgt.s32 s23, $0x1  }
0x35: {  	s13 =	smov.u32 s16;
	s23 =	smov.u32 @p2 s1;
	p2 =	sne.s32 s17, s9  }
.Ltmp1:
0x36: {  	s22 =	smov.u32 @p3 s2;
	s19 =	smov.u32 s11;
	(pc) =	sbr.rel @!p2 .LBB1_6-.Ltmp1, $4  }
0x37: {  	s11 =	smov.u32 s14;
	s14 =	smov.u32 s21;
	s18 =	sand.u32 @!p1 $0x3FFFFFFF, s18  }
0x38: {  	_ =	swait.ge @!p1 [sflag:s24], s18;
	s25 =	ssub.s32 @!p1 $0x0, s18;
	s18 =	smov.u32 s12  }
0x39: {  	s17 =	sadd.s32 $0x1, s17;
	s12 =	smov.u32 s15;
	[sflag:s24] =	ssyncset.done @!p1 $0x0  }
0x3a: {  	s15 =	smov.u32 s22;
	s16 =	smov.u32 s23;
	[sflag:s24] =	ssyncadd.s32 @!p1 s25  }
.LBB1_1:
0x3b: {  	p1 =	sge.u32 s17, s7  }
0x3c: {  	s21 =	sshrl.u32 @!p1 s15, $0x3  }
0x3d: {  	s22 =	sshll.u32 @!p1 s14, $0x3;
	s21 =	smul.u32 @!p1 $0x7A400, s21  }
0x3e: {  	s23 =	sshll.u32 @!p1 s15, $0x7;
	s22 =	sand.u32 @!p1 $0xFFFFFC00, s22  }
0x3f: {  	s21 =	sadd.s32 @!p1 s21, s22;
	s22 =	sand.u32 @!p1 $0x380, s23  }
0x40: {  	s21 =	sor.u32 @!p1 s22, s21  }
0x41: {  	s22 =	sshrl.u32 @!p1 s21, $0x7  }
0x42: {  	s22 =	smulhi.u32 @!p1 $0x21814F1, s22;
	_ =	sdelay $0x1  }
0x43: {  	s31 =	sadd.s32 $0xFFFFFFFF, s17;
	s22 =	sshrl.u32 @!p1 s22, $0x2  }
0x44: {  	s24 =	sand.u32 @!p1 $0x7F, s14;
	s23 =	sxor.u32 @!p1 $0xFFFFFFFF, s17;
	s25 =	smul.u32 @!p1 $0xF480, s22  }
0x45: {  	s21 =	sor.u32 @!p1 s24, s21;
	s24 =	smul.u32 @!p1 $0x1E9000, s16;
	s22 =	sand.u32 @!p1 $0xFF, s22  }
0x46: {  	s23 =	sshll.u32 @!p1 s23, $0xE;
	s22 =	smul.u32 @!p1 $0x1E90, s22;
	s21 =	ssub.s32 @!p1 s21, s25  }
0x47: {  	s23 =	sand.u32 @!p1 $0x4000, s23;
	s24 =	sadd.s32 @!p1 s8, s24;
	s25 =	sand.u32 @!p1 $0x7, s21  }
0x48: {  	s21 =	sshrl.u32 @!p1 s21, $0x3;
	s22 =	sadd.s32 @!p1 s22, s24;
	s24 =	sshll.u32 @!p1 s25, $0x12  }
0x49: {  	s21 =	sadd.s32 @!p1 s21, s22;
	s22 =	sor.u32 @!p1 $0x400, s24;
	s24 =	simm.s32 @!p1 $0x7A400  }
0x4a: {  	[tilespmem:s23], [sflag:$0x1] =	stream.strided.gather @!p1 [hbm4b:s21+s22], $0x4000, s24, s22, $0x38;
	[tilespmem:$0x10100] =	vst v63  }
0x4b: {  	p1 =	sge.u32 s31, s7  }
.Ltmp2:
0x4c: {  	_ = 	snop;
	(pc) =	sbr.rel @p1 .LBB1_5-.Ltmp2, $1  }
0x4d: {  	_ =	sdelay $0x3  }
0x4e: {  	s21 =	simm.s32 $0x1  }
0x4f: {  	_ =	swait.ge [sflag:s6], $0x4000;
	s21 =	simm.s32 @!p0 $0x0  }
0x50: {  	[sflag:s6] =	ssyncset.done $0x0;
	s22 =	sshll.u32 s21, $0xE  }
0x51: {  	[sflag:s6] =	ssyncadd.s32 $0xFFFFC000;
	s22 =	sor.u32 $0x40, s22  }
0x52: {  	s21 =	smul.u32 $0x10200, s21;
	v0 =	vld [tilespmem:s22+$0x30]  }
0x53: {  	v1 =	vld [tilespmem:s22+$0xFFFFFFD0]  }
0x54: {  	s21 =	sshrl.u32 s21, $0x2;
	v5 =	vld [tilespmem:s22+$0xFFFFFFE0]  }
0x55: {  	v6 =	vld [tilespmem:s22+$0xFFFFFFF0];
	s24 =	sor.u32 $0x8000, s21  }
0x56: {  	s31 =	sand.u32 $0x1, s17;
	v4 =	vld [tilespmem:s22+$0x0];
	s23 =	sadd.s32 $0x0, s24  }
0x57: {  	v3 =	vld [tilespmem:s22+$0x10];
	s21 =	smul.u32 $0x10200, s31;
	[tilespmem:s23+$0x3870 ss:$0x81] =	vst.msk $0xffff, v0  }
0x58: {  	v2 =	vld [tilespmem:s22+$0x20];
	[tilespmem:s23+$0x810 ss:$0x81] =	vst.msk $0xffff, v1  }
0x59: {  	s21 =	sshrl.u32 s21, $0x2;
	v1 =	vld [tilespmem:s22+$0xFFFFFFC0];
	[tilespmem:s23+$0x1020 ss:$0x81] =	vst.msk $0xffff, v5;
	s22 =	sadd.s32 $0x80, s22  }
0x5a: {  	s25 =	simm.s32 $0x4;
	s26 =	simm.s32 $0x8;
	s21 =	sor.u32 $0x8000, s21;
	[tilespmem:s23+$0x1830 ss:$0x81] =	vst.msk $0xffff, v6;
	v0 =	vld [tilespmem:s22+$0x30]  }
.LBB1_3:
0x5b: {  	p1 =	sne.s32 s26, $0x1FC;
	v5 =	vld [tilespmem:s22+$0xFFFFFFD0];
	[tilespmem:s23+$0x2040 ss:$0x81] =	vst.msk $0xffff, v4  }
0x5c: {  	v6 =	vld [tilespmem:s22+$0xFFFFFFE0];
	[tilespmem:s23+$0x2850 ss:$0x81] =	vst.msk $0xffff, v3  }
0x5d: {  	s27 =	sshra.s32 s25, $0x2;
	s25 =	smov.u32 s26;
	v7 =	vld [tilespmem:s22+$0xFFFFFFF0];
	[tilespmem:s23+$0x3060 ss:$0x81] =	vst.msk $0xffff, v2  }
.Ltmp3:
0x5e: {  	v4 =	vld [tilespmem:s22+$0x0];
	[tilespmem:s23+$0x0 ss:$0x81] =	vst.msk $0xffff, v1;
	s23 =	sadd.s32 s27, s24;
	(pc) =	sbr.rel @p1 .LBB1_3-.Ltmp3, $4  }
0x5f: {  	v3 =	vld [tilespmem:s22+$0x10];
	[tilespmem:s23+$0x3870 ss:$0x81] =	vst.msk $0xffff, v0  }
0x60: {  	[tilespmem:s23+$0x810 ss:$0x81] =	vst.msk $0xffff, v5;
	v2 =	vld [tilespmem:s22+$0x20]  }
0x61: {  	v1 =	vld [tilespmem:s22+$0xFFFFFFC0];
	[tilespmem:s23+$0x1020 ss:$0x81] =	vst.msk $0xffff, v6;
	s22 =	sadd.s32 $0x80, s22  }
0x62: {  	s26 =	sadd.s32 $0x4, s26;
	v0 =	vld [tilespmem:s22+$0x30];
	[tilespmem:s23+$0x1830 ss:$0x81] =	vst.msk $0xffff, v7  }
.Ltmp4:
0x63: {  	_ = 	snop;
	(pc) =	sbr.rel .LBB1_4-.Ltmp4, $1  }
0x64: {  	_ =	sdelay $0x3  }
.LBB1_6:
0x65: {  	_ =	sfence.sel $0x180000  }
0x66: {  	s1 =	simm.s32 $0x1;
	[bflag:$0x0] =	sbarrier.arrive $0xFFFF  }
0x67: {  	s31 =	simm.s32 $0x2;
	[sflag:s1] =	ssyncpa.u1 $0x1  }
0x68: {  	[sflag:s31] =	ssyncpa.u1 $0x1  }
0x69: {  	p0 =	sne.s32 s0, $0x0;
	_ =	strace $0x9000004A  }
0x6a: {  	s0 =	sadd.s32 @!p0 $0x100000, s4;
	[bflag:$0x2] =	sbarrier.arrive $0xFFFF  }
0x6b: {  	[sflag:s0] =	ssyncadd.tile.s32 @!p0 $0x1;
	_ =	shalt  }
.Lfunc_end1:
_tile_overlayer_lowered:
.L_overlay_start_2:
0x6c: {  	(tag) =	ssettag $0x2  }
0x6d: {  	s0 =	rddreg [dreg:$0x0];
	s2 =	stileid.u32  }
0x6e: {  	s1 =	rddreg [dreg:$0x1];
	p0 =	sne.s32 s2, $0x0  }
0x6f: {  	s3 =	rddreg [dreg:$0x2];
	[bflag:$0x3] =	sbarrier.arrive $0xFFFF;
	s2 =	simm.s32 @!p0 $0x1C01  }
0x70: {  	[timem:s3], [sflag:s2] =	dma.local @!p0 [hbm:s0], s1  }
0x71: {  	s0 =	simm.s32 @!p0 $0x1  }
0x72: {  	_ =	swait.ge @!p0 [sflag:s0], s1  }
0x73: {  	s1 =	ssub.s32 @!p0 $0x0, s1;
	[sflag:s0] =	ssyncset.done @!p0 $0x0  }
0x74: {  	[sflag:s0] =	ssyncadd.s32 @!p0 s1  }
0x75: {  	[bflag:$0x3] =	sbarrier.arrive $0xFFFF  }
0x76: {  	_ =	shalt  }

</sc_bundles>
